<compile_context>
chip_gen: v7x
topology: tpu7x:2x2x1
jax: 0.10.2.dev20260603
libtpu: 0.0.44.dev20260713+nightly
codegen_flags: <defaults>
</compile_context>

<pallas_src>
import jax
import jax.numpy as jnp
from jax import lax
from jax.experimental import pallas as pl
from jax.experimental.pallas import tpu as pltpu

DIM = 192
NH = 8
WS = 8
TOPK = 4
H = 224
NWH = H // WS
NREG = NWH * NWH
TOK = WS * WS
NTOK = NREG * TOK
CH = DIM // 2
HDW = CH // NH
HDC = DIM // NH
SCALE = DIM ** -0.5
CA_SCALE = HDC ** -0.5




def _qkv_kernel(x_ref, w_ref, b_ref, owq_ref, owk_ref, owv_ref,
                oq_ref, ok_ref, ov_ref, ol_ref):
    y = jnp.dot(x_ref[...], w_ref[...], preferred_element_type=jnp.float32)
    y = y + b_ref[...]
    owq_ref[...] = y[:, 0:96]
    owk_ref[...] = y[:, 96:192]
    owv_ref[...] = y[:, 192:288]
    oq_ref[...] = y[:, 288:384]
    ok_ref[...] = y[:, 384:480]
    ov_ref[...] = y[:, 480:576]
    ol_ref[...] = jnp.concatenate([y[:, 480:576], y[:, 192:288]], axis=1)


def _softmax_last(x):
    m = jnp.max(x, axis=-1, keepdims=True)
    e = jnp.exp(x - m)
    s = jnp.sum(e, axis=-1, keepdims=True)
    return e * (1.0 / s)


def _win_attn_kernel(q_ref, k_ref, v_ref, mq_ref, am_ref, mo_ref, o_ref):
    q0 = q_ref[:, 0:WS, :].reshape(TOK, 96)
    q1 = q_ref[:, WS:2 * WS, :].reshape(TOK, 96)
    qs = jnp.concatenate([q0] * NH + [q1] * NH, axis=0) * mq_ref[...]
    kc = jnp.concatenate([k_ref[:, 0:WS, :].reshape(TOK, 96),
                          k_ref[:, WS:2 * WS, :].reshape(TOK, 96)], axis=0)
    vc = jnp.concatenate([v_ref[:, 0:WS, :].reshape(TOK, 96),
                          v_ref[:, WS:2 * WS, :].reshape(TOK, 96)], axis=0)
    l = lax.dot_general(qs, kc, (((1,), (1,)), ((), ())),
                        preferred_element_type=jnp.float32)
    l = _softmax_last(l + am_ref[...])
    o = jnp.dot(l, vc, preferred_element_type=jnp.float32)
    for w in range(2):
        acc = o[w * 512:w * 512 + TOK, :] * mo_ref[0:1, :]
        for h in range(1, NH):
            acc = acc + o[w * 512 + h * TOK:w * 512 + (h + 1) * TOK, :] * mo_ref[h:h + 1, :]
        o_ref[:, w * WS:(w + 1) * WS, :] = acc.reshape(WS, WS, 96)


def _pool_kernel(q_ref, k_ref, qr_ref, kr_ref):
    def pool(ref):
        s = jnp.sum(ref[...], axis=0).reshape(NWH, WS, 96)
        acc = s[:, 0, :]
        for j in range(1, WS):
            acc = acc + s[:, j, :]
        return (acc * (1.0 / TOK)).reshape(NWH, 1, 96)
    qr_ref[...] = pool(q_ref)
    kr_ref[...] = pool(k_ref)


def _topk_kernel(qr_ref, kr_ref, idx_ref):
    a = lax.dot_general(qr_ref[...], kr_ref[...], (((1,), (1,)), ((), ())),
                        preferred_element_type=jnp.float32)
    col = lax.broadcasted_iota(jnp.int32, a.shape, 1)
    idxs = []
    for _ in range(TOPK):
        m = jnp.max(a, axis=1, keepdims=True)
        sel = jnp.where(a >= m, col, jnp.int32(2 ** 30))
        j = jnp.min(sel, axis=1, keepdims=True)
        idxs.append(j)
        a = jnp.where(col == j, jnp.float32(-3e38), a)
    idx_ref[...] = jnp.concatenate(idxs, axis=1)


def _bra_attn_kernel(idx_ref, q_ref, k0_ref, k1_ref, k2_ref, k3_ref,
                     v0_ref, v1_ref, v2_ref, v3_ref, mq_ref, mo_ref, o_ref):
    del idx_ref
    q = q_ref[...].reshape(TOK, 96)
    qs = jnp.concatenate([q] * NH, axis=0) * mq_ref[...]
    kc = jnp.concatenate([k0_ref[...].reshape(TOK, 96), k1_ref[...].reshape(TOK, 96),
                          k2_ref[...].reshape(TOK, 96), k3_ref[...].reshape(TOK, 96)],
                         axis=0)
    vc = jnp.concatenate([v0_ref[...].reshape(TOK, 96), v1_ref[...].reshape(TOK, 96),
                          v2_ref[...].reshape(TOK, 96), v3_ref[...].reshape(TOK, 96)],
                         axis=0)
    l = lax.dot_general(qs, kc, (((1,), (1,)), ((), ())),
                        preferred_element_type=jnp.float32)
    l = _softmax_last(l)
    o = jnp.dot(l, vc, preferred_element_type=jnp.float32)
    acc = o[0:TOK, :] * mo_ref[0:1, :]
    for h in range(1, NH):
        acc = acc + o[h * TOK:(h + 1) * TOK, :] * mo_ref[h:h + 1, :]
    o_ref[...] = acc.reshape(WS, WS, 96)


def _lepe_kernel(x0_ref, x1_ref, x2_ref, w_ref, b_ref, o_ref):
    acc = jnp.broadcast_to(b_ref[...], (8, H, DIM)).astype(jnp.float32)
    for dy, xref in enumerate((x0_ref, x1_ref, x2_ref)):
        xfull = xref[...]
        for dx in range(3):
            wrow = w_ref[dy * 3 + dx, :]
            acc = acc + xfull[:, dx:dx + H, :] * wrow[None, None, :]
    o_ref[...] = acc


def _ca1_kernel(win_ref, bra_ref, lepe_ref, x_ref, s_ref):
    x = jnp.concatenate([win_ref[...], bra_ref[...]], axis=1) + lepe_ref[...]
    x_ref[...] = x

    @pl.when(pl.program_id(0) == 0)
    def _():
        s_ref[...] = jnp.zeros_like(s_ref)

    s_ref[...] += lax.dot_general(x, x, (((0,), (0,)), ((), ())),
                                  preferred_element_type=jnp.float32)


def _fold_kernel(s_ref, wq_ref, wk_ref, wv_ref, pw_ref, wf_ref):
    t1 = jnp.dot(s_ref[...], wv_ref[...], preferred_element_type=jnp.float32)
    lg = lax.dot_general(wk_ref[...], t1, (((0,), (0,)), ((), ())),
                         preferred_element_type=jnp.float32) * CA_SCALE
    r = lax.broadcasted_iota(jnp.int32, (DIM, DIM), 0) // HDC
    c = lax.broadcasted_iota(jnp.int32, (DIM, DIM), 1) // HDC
    lg = jnp.where(r == c, lg, jnp.float32(-1e30))
    attbd = _softmax_last(lg)
    t2 = lax.dot_general(wq_ref[...], attbd, (((1,), (1,)), ((), ())),
                         preferred_element_type=jnp.float32)
    wf_ref[...] = jnp.dot(t2, pw_ref[...], preferred_element_type=jnp.float32)


def _ca2_kernel(x_ref, wf_ref, pb_ref, o_ref):
    o_ref[...] = (jnp.dot(x_ref[...], wf_ref[...],
                          preferred_element_type=jnp.float32) + pb_ref[...])


def kernel(x, w_win_qkv, b_win_qkv, w_bra_qkv, b_bra_qkv, lepe_w, lepe_b,
           ca_qkv_w, ca_proj_w, ca_proj_b):
    f32 = jnp.float32
    xf = x.reshape(NTOK, DIM)

    z = jnp.zeros((CH, 3 * CH), f32)
    wc = jnp.concatenate([jnp.concatenate([w_win_qkv, z], axis=1),
                          jnp.concatenate([z, w_bra_qkv], axis=1)], axis=0)
    bc = jnp.concatenate([b_win_qkv, b_bra_qkv])[None, :]

    chead = jnp.arange(96, dtype=jnp.int32) // HDW
    hrow = jnp.repeat(jnp.arange(NH, dtype=jnp.int32), TOK)
    maskq = (chead[None, :] == hrow[:, None]).astype(f32) * SCALE
    maskq2 = jnp.concatenate([maskq, maskq], axis=0)
    masko = jax.nn.one_hot(chead, NH, dtype=f32).T
    rgrp = jnp.arange(1024, dtype=jnp.int32) // 512
    cgrp = jnp.arange(128, dtype=jnp.int32) // TOK
    amask = jnp.where(rgrp[:, None] == cgrp[None, :], 0.0, -1e30).astype(f32)
    pmat = jax.nn.one_hot(jnp.arange(H, dtype=jnp.int32) // WS, NWH,
                          dtype=f32).T

    rb = 1792
    ngrid = NTOK // rb
    o_wq, o_wk, o_wv, o_qb, o_kb, o_vb, o_lep = pl.pallas_call(
        _qkv_kernel,
        grid=(ngrid,),
        in_specs=[
            pl.BlockSpec((rb, DIM), lambda i: (i, 0)),
            pl.BlockSpec((DIM, 576), lambda i: (0, 0)),
            pl.BlockSpec((1, 576), lambda i: (0, 0)),
        ],
        out_specs=[pl.BlockSpec((rb, 96), lambda i: (i, 0))] * 6
                  + [pl.BlockSpec((rb, 192), lambda i: (i, 0))],
        out_shape=[jax.ShapeDtypeStruct((NTOK, 96), f32)] * 6
                  + [jax.ShapeDtypeStruct((NTOK, 192), f32)],
    )(xf, wc, bc)

    q_win = o_wq.reshape(H, H, 96)
    k_win = o_wk.reshape(H, H, 96)
    v_win = o_wv.reshape(H, H, 96)
    q_bra = o_qb.reshape(H, H, 96)
    k_bra = o_kb.reshape(H, H, 96)
    v_bra = o_vb.reshape(H, H, 96)

    win_out = pl.pallas_call(
        _win_attn_kernel,
        grid=(NWH, NWH // 2),
        in_specs=[pl.BlockSpec((WS, 2 * WS, 96), lambda i, j: (i, j, 0)),
                  pl.BlockSpec((WS, 2 * WS, 96), lambda i, j: (i, j, 0)),
                  pl.BlockSpec((WS, 2 * WS, 96), lambda i, j: (i, j, 0)),
                  pl.BlockSpec((1024, 96), lambda i, j: (0, 0)),
                  pl.BlockSpec((1024, 128), lambda i, j: (0, 0)),
                  pl.BlockSpec((NH, 96), lambda i, j: (0, 0))],
        out_specs=pl.BlockSpec((WS, 2 * WS, 96), lambda i, j: (i, j, 0)),
        out_shape=jax.ShapeDtypeStruct((H, H, 96), f32),
    )(q_win, k_win, v_win, maskq2, amask, masko)


    q_r3, k_r3 = pl.pallas_call(
        _pool_kernel,
        grid=(NWH,),
        in_specs=[pl.BlockSpec((WS, H, 96), lambda i: (i, 0, 0)),
                  pl.BlockSpec((WS, H, 96), lambda i: (i, 0, 0))],
        out_specs=[pl.BlockSpec((NWH, 1, 96), lambda i: (i, 0, 0)),
                   pl.BlockSpec((NWH, 1, 96), lambda i: (i, 0, 0))],
        out_shape=[jax.ShapeDtypeStruct((NREG, 1, 96), f32),
                   jax.ShapeDtypeStruct((NREG, 1, 96), f32)],
    )(q_bra, k_bra)
    q_r = q_r3.reshape(NREG, 96)
    k_r = k_r3.reshape(NREG, 96)

    pb_ = 112
    idx = pl.pallas_call(
        _topk_kernel,
        grid=(NREG // pb_,),
        in_specs=[pl.BlockSpec((pb_, 96), lambda i: (i, 0)),
                  pl.BlockSpec((NREG, 96), lambda i: (0, 0))],
        out_specs=pl.BlockSpec((pb_, TOPK), lambda i: (i, 0)),
        out_shape=jax.ShapeDtypeStruct((NREG, TOPK), jnp.int32),
    )(q_r, k_r)
    idx_flat = idx.reshape(-1)

    def _qmap(i, idx_ref):
        return (i // NWH, i % NWH, 0)

    def _gmap(t):
        def m(i, idx_ref):
            r = idx_ref[i * TOPK + t]
            return (r // NWH, r % NWH, 0)
        return m

    bra_out = pl.pallas_call(
        _bra_attn_kernel,
        grid_spec=pltpu.PrefetchScalarGridSpec(
            num_scalar_prefetch=1,
            grid=(NREG,),
            in_specs=[pl.BlockSpec((WS, WS, 96), _qmap)]
                     + [pl.BlockSpec((WS, WS, 96), _gmap(t)) for t in range(TOPK)]
                     + [pl.BlockSpec((WS, WS, 96), _gmap(t)) for t in range(TOPK)]
                     + [pl.BlockSpec((512, 96), lambda i, idx_ref: (0, 0)),
                        pl.BlockSpec((NH, 96), lambda i, idx_ref: (0, 0))],
            out_specs=pl.BlockSpec((WS, WS, 96), _qmap),
        ),
        out_shape=jax.ShapeDtypeStruct((H, H, 96), f32),
    )(idx_flat, q_bra, k_bra, k_bra, k_bra, k_bra,
      v_bra, v_bra, v_bra, v_bra, maskq, masko)


    lepe_hwc = o_lep.reshape(H, H, DIM)
    xp = jnp.pad(lepe_hwc, ((1, 1), (1, 1), (0, 0)))
    x0, x1, x2 = xp[0:H], xp[1:H + 1], xp[2:H + 2]
    wt = jnp.pad(lepe_w.reshape(DIM, 9).T, ((0, 7), (0, 0)))
    lb = lepe_b[None, :]
    lepe = pl.pallas_call(
        _lepe_kernel,
        grid=(H // 8,),
        in_specs=[pl.BlockSpec((8, H + 2, DIM), lambda i: (i, 0, 0)),
                  pl.BlockSpec((8, H + 2, DIM), lambda i: (i, 0, 0)),
                  pl.BlockSpec((8, H + 2, DIM), lambda i: (i, 0, 0)),
                  pl.BlockSpec((16, DIM), lambda i: (0, 0)),
                  pl.BlockSpec((1, DIM), lambda i: (0, 0))],
        out_specs=pl.BlockSpec((8, H, DIM), lambda i: (i, 0, 0)),
        out_shape=jax.ShapeDtypeStruct((H, H, DIM), f32),
    )(x0, x1, x2, wt, lb)
    lepe_tok = lepe.reshape(NTOK, DIM)


    win_tok = win_out.reshape(NTOK, 96)
    bra_tok = bra_out.reshape(NTOK, 96)

    x_ca, s_acc = pl.pallas_call(
        _ca1_kernel,
        grid=(ngrid,),
        in_specs=[pl.BlockSpec((rb, 96), lambda i: (i, 0)),
                  pl.BlockSpec((rb, 96), lambda i: (i, 0)),
                  pl.BlockSpec((rb, DIM), lambda i: (i, 0))],
        out_specs=[pl.BlockSpec((rb, DIM), lambda i: (i, 0)),
                   pl.BlockSpec((DIM, DIM), lambda i: (0, 0))],
        out_shape=[jax.ShapeDtypeStruct((NTOK, DIM), f32),
                   jax.ShapeDtypeStruct((DIM, DIM), f32)],
    )(win_tok, bra_tok, lepe_tok)


    wfold = pl.pallas_call(
        _fold_kernel,
        grid=(1,),
        in_specs=[pl.BlockSpec((DIM, DIM), lambda i: (0, 0))] * 5,
        out_specs=pl.BlockSpec((DIM, DIM), lambda i: (0, 0)),
        out_shape=jax.ShapeDtypeStruct((DIM, DIM), f32),
    )(s_acc, ca_qkv_w[:, 0:DIM], ca_qkv_w[:, DIM:2 * DIM],
      ca_qkv_w[:, 2 * DIM:3 * DIM], ca_proj_w)

    out = pl.pallas_call(
        _ca2_kernel,
        grid=(ngrid,),
        in_specs=[pl.BlockSpec((rb, DIM), lambda i: (i, 0)),
                  pl.BlockSpec((DIM, DIM), lambda i: (0, 0)),
                  pl.BlockSpec((1, DIM), lambda i: (0, 0))],
        out_specs=pl.BlockSpec((rb, DIM), lambda i: (i, 0)),
        out_shape=jax.ShapeDtypeStruct((NTOK, DIM), f32),
    )(x_ca, wfold, ca_proj_b[None, :])

    return out.reshape(1, NTOK, DIM)

# --- scband reference (transcript-rebuilt; emitter-appended) ---
"""Pipeline reference for scband-swin-bra-54030688583942 (READ-ONLY COPY).

The authoritative reference and input builder live on the scoring server;
editing this copy changes nothing except your own understanding.
"""

import jax, jax.numpy as jnp
import numpy as np

DIM = 192
NUM_HEADS = 8
WIN_SIZE = 8
TOPK = 4

def setup_inputs(seed: int = 0):
    key = jax.random.key(seed)
    ks = jax.random.split(key, 8)
    C = DIM
    Ch = C // 2
    x = jax.random.normal(ks[0], (1, 224, 224, C), dtype=jnp.float32)
    w_win_qkv = jax.random.normal(ks[1], (Ch, 3 * Ch), dtype=jnp.float32) * 0.02
    b_win_qkv = jnp.zeros((3 * Ch,), dtype=jnp.float32)
    w_bra_qkv = jax.random.normal(ks[2], (Ch, 3 * Ch), dtype=jnp.float32) * 0.02
    b_bra_qkv = jnp.zeros((3 * Ch,), dtype=jnp.float32)
    lepe_w = jax.random.normal(ks[3], (C, 1, 3, 3), dtype=jnp.float32) * 0.02
    lepe_b = jnp.zeros((C,), dtype=jnp.float32)
    ca_qkv_w = jax.random.normal(ks[4], (C, 3 * C), dtype=jnp.float32) * 0.02
    ca_proj_w = jax.random.normal(ks[5], (C, C), dtype=jnp.float32) * 0.02
    ca_proj_b = jnp.zeros((C,), dtype=jnp.float32)
    return {"x": x, "w_win_qkv": w_win_qkv, "b_win_qkv": b_win_qkv, "w_bra_qkv": w_bra_qkv, "b_bra_qkv": b_bra_qkv, "lepe_w": lepe_w, "lepe_b": lepe_b, "ca_qkv_w": ca_qkv_w, "ca_proj_w": ca_proj_w, "ca_proj_b": ca_proj_b}

def _window_partition(x, ws):
    B, H, W, C = x.shape
    x = x.reshape(B, H // ws, ws, W // ws, ws, C)
    return x.transpose(0, 1, 3, 2, 4, 5).reshape(-1, ws, ws, C)

def _window_reverse(windows, ws, H, W):
    B = windows.shape[0] // ((H // ws) * (W // ws))
    x = windows.reshape(B, H // ws, W // ws, ws, ws, -1)
    return x.transpose(0, 1, 3, 2, 4, 5).reshape(B, H, W, -1)

def _regional_routing_attention(query, key, value, scale, region_graph, region_size):
    # Faithful jax port of BiFormer's regional_routing_attention_torch (no padding needed: H,W divisible)
    bs, nhead, q_nregion, topk = region_graph.shape
    rh, rw = region_size
    B, Ctot, Hq, Wq = query.shape
    hd = Ctot // nhead
    def to_reg(t):
        b, c, h, w = t.shape
        t = t.reshape(b, nhead, hd, h // rh, rh, w // rw, rw)
        t = t.transpose(0, 1, 3, 5, 4, 6, 2)
        return t.reshape(b, nhead, (h // rh) * (w // rw), rh * rw, hd)
    q = to_reg(query); k = to_reg(key); v = to_reg(value)
    reg = rh * rw
    idx = region_graph[..., None, None]  # (bs, nhead, q_nregion, topk, 1, 1)
    k_g = jnp.take_along_axis(k[:, :, None], idx, axis=3)  # (bs, nhead, q_nregion, topk, reg, hd)
    v_g = jnp.take_along_axis(v[:, :, None], idx, axis=3)
    k_g = k_g.reshape(bs, nhead, q_nregion, topk * reg, hd)
    v_g = v_g.reshape(bs, nhead, q_nregion, topk * reg, hd)
    attn = (q * scale) @ jnp.swapaxes(k_g, -1, -2)
    attn = jax.nn.softmax(attn, axis=-1)
    out = attn @ v_g  # (bs, nhead, q_nregion, reg, hd)
    nh_, nw_ = Hq // rh, Wq // rw
    out = out.reshape(bs, nhead, nh_, nw_, rh, rw, hd)
    out = out.transpose(0, 1, 6, 2, 4, 3, 5).reshape(bs, nhead * hd, Hq, Wq)
    return out, attn

def _channel_attention(x, qkv_w, proj_w, proj_b, num_heads):
    # DaViT-style channel attention (qkv_bias=False)
    B, N, C = x.shape
    hd = C // num_heads
    scale = hd ** (-0.5)
    qkv = (x @ qkv_w).reshape(B, N, 3, num_heads, hd).transpose(2, 0, 3, 1, 4)
    q, k, v = qkv[0], qkv[1], qkv[2]
    k = k * scale
    attention = jnp.swapaxes(k, -1, -2) @ v  # (B, nh, hd, hd)
    attention = jax.nn.softmax(attention, axis=-1)
    out = attention @ jnp.swapaxes(q, -1, -2)  # (B, nh, hd, N)
    out = jnp.swapaxes(out, -1, -2)  # (B, nh, N, hd)
    out = out.transpose(0, 2, 1, 3).reshape(B, N, C)
    return out @ proj_w + proj_b

def _forward(x, w_win_qkv, b_win_qkv, w_bra_qkv, b_bra_qkv, lepe_w, lepe_b, ca_qkv_w, ca_proj_w, ca_proj_b):
    N, H, W, C = x.shape
    ws = WIN_SIZE; nh = NUM_HEADS
    scale = C ** (-0.5)  # note: module uses dim**-0.5, not head_dim
    Ch = C // 2
    window_x = x[..., :Ch]; bra_x = x[..., Ch:]
    # window (swin) branch, mask=None path
    wx = _window_partition(window_x, ws).reshape(-1, ws * ws, Ch)
    Bw, Nw, Cw = wx.shape
    qkv = (wx @ w_win_qkv + b_win_qkv).reshape(Bw, Nw, 3, nh, Cw // nh).transpose(2, 0, 3, 1, 4)
    q1, k1, v1 = qkv[0], qkv[1], qkv[2]
    lcev1 = jnp.swapaxes(v1, 1, 2).reshape(Bw, Nw, Cw)
    lcev1 = _window_reverse(lcev1.reshape(-1, ws, ws, Cw), ws, H, W).transpose(0, 3, 1, 2)
    q1 = q1 * scale
    attn = q1 @ jnp.swapaxes(k1, -1, -2)
    attn = jax.nn.softmax(attn, axis=-1)
    window_output = jnp.swapaxes(attn @ v1, 1, 2).reshape(Bw, Nw, Cw)
    window_output = _window_reverse(window_output.reshape(-1, ws, ws, Cw), ws, H, W).transpose(0, 3, 1, 2)
    # BRA branch
    bra_qkv = (bra_x @ w_bra_qkv + b_bra_qkv).transpose(0, 3, 1, 2)  # (N, 3*Ch, H, W)
    q, k, v = jnp.split(bra_qkv, 3, axis=1)
    q_d = jax.lax.stop_gradient(q); k_d = jax.lax.stop_gradient(k)  # .detach()
    q_r = q_d.reshape(N, Ch, H // ws, ws, W // ws, ws).mean(axis=(3, 5))  # avg_pool2d region
    k_r = k_d.reshape(N, Ch, H // ws, ws, W // ws, ws).mean(axis=(3, 5))
    q_r = q_r.transpose(0, 2, 3, 1).reshape(N, -1, Ch)
    k_r = k_r.reshape(N, Ch, -1)
    a_r = q_r @ k_r
    idx_r = jax.lax.top_k(a_r, TOPK)[1]  # (N, q_nregion, topk)
    idx_r = jnp.broadcast_to(idx_r[:, None], (N, nh, idx_r.shape[1], TOPK))
    bra_output, _attn_mat = _regional_routing_attention(q, k, v, scale, idx_r, (ws, ws))
    output = jnp.concatenate([window_output, bra_output], axis=1)  # (N, C, H, W)
    lepe_in = jnp.concatenate([v, lcev1], axis=1)
    lepe = jax.lax.conv_general_dilated(lepe_in, lepe_w, (1, 1), [(1, 1), (1, 1)], feature_group_count=C, dimension_numbers=('NCHW', 'OIHW', 'NCHW')) + lepe_b[None, :, None, None]
    output = output + lepe
    output = output.reshape(N, C, H * W).transpose(0, 2, 1)  # bchw_to_blc
    return _channel_attention(output, ca_qkv_w, ca_proj_w, ca_proj_b, nh)

def reference(x, w_win_qkv, b_win_qkv, w_bra_qkv, b_bra_qkv, lepe_w, lepe_b, ca_qkv_w, ca_proj_w, ca_proj_b):
    return _forward(x, w_win_qkv, b_win_qkv, w_bra_qkv, b_bra_qkv, lepe_w, lepe_b, ca_qkv_w, ca_proj_w, ca_proj_b)

if __name__ == "__main__":
    import jax
    _d = setup_inputs()
    print(jax.jit(kernel)(*tuple(_d.values())))

</pallas_src>

<mosaic_0001>
module attributes {stable_mosaic.version = 14 : i64} {
  func.func @_topk_kernel(%arg0: i32, %arg1: memref<112x96xf32, #tpu.memory_space<vmem>>, %arg2: memref<784x96xf32, #tpu.memory_space<vmem>>, %arg3: memref<112x4xi32, #tpu.memory_space<vmem>>) attributes {dimension_semantics = [#tpu.dimension_semantics<arbitrary>], iteration_bounds = array<i64: 7>, scalar_prefetch = 0 : i64, scratch_operands = 0 : i64, tpu.core_type = #tpu.core_type<tc>, window_params = [{transform_indices = @transform_0, window_bounds = array<i64: 112, 96>}, {pipeline_mode = #tpu.pipeline_mode<synchronous>, transform_indices = @transform_1, window_bounds = array<i64: 784, 96>}, {transform_indices = @transform_2, window_bounds = array<i64: 112, 4>}]} {
    %get3A = arith.constant 0 : index
    %get3A_0 = arith.constant 0 : index
    %get3A_1 = vector.load %arg1[%get3A, %get3A_0] : memref<112x96xf32, #tpu.memory_space<vmem>>, vector<112x96xf32>
    %get3A_2 = arith.constant 0 : index
    %get3A_3 = arith.constant 0 : index
    %get3A_4 = vector.load %arg2[%get3A_2, %get3A_3] : memref<784x96xf32, #tpu.memory_space<vmem>>, vector<784x96xf32>
    %dot_general3A = arith.constant dense<0.000000e+00> : vector<112x784xf32>
    %dot_general3A_5 = tpu.matmul %get3A_1, %get3A_4, %dot_general3A {dimension_numbers = #tpu.dot_dimension_numbers<[1], [1], [0], [0], [0, 0, 1, 0], [], []>, transpose_lhs_hint = false} : vector<112x96xf32>, vector<784x96xf32>, vector<112x784xf32> -> vector<112x784xf32>
    %iota3A = tpu.iota {dimensions = array<i32: 1>} : vector<112x784xi32>
    %reduce_max3A = arith.constant dense<0xFF800000> : vector<112xf32>
    %reduce_max3A_6 = vector.multi_reduction <maximumf>, %dot_general3A_5, %reduce_max3A [1] : vector<112x784xf32> to vector<112xf32>
    %broadcast_in_dim3A = vector.shape_cast %reduce_max3A_6 : vector<112xf32> to vector<112x1xf32>
    %ge3A = vector.broadcast %broadcast_in_dim3A : vector<112x1xf32> to vector<112x784xf32>
    %ge3A_7 = arith.cmpf oge, %dot_general3A_5, %ge3A : vector<112x784xf32>
    %jit3A = arith.constant 1073741824 : i32
    %broadcast_in_dim3A_8 = vector.broadcast %jit3A : i32 to vector<112x784xi32>
    %select_n3A = arith.select %ge3A_7, %iota3A, %broadcast_in_dim3A_8 : vector<112x784xi1>, vector<112x784xi32>
    %reduce_min3A = arith.constant dense<2147483647> : vector<112xi32>
    %reduce_min3A_9 = vector.multi_reduction <minsi>, %select_n3A, %reduce_min3A [1] : vector<112x784xi32> to vector<112xi32>
    %broadcast_in_dim3A_10 = vector.shape_cast %reduce_min3A_9 : vector<112xi32> to vector<112x1xi32>
    %eq3A = vector.broadcast %broadcast_in_dim3A_10 : vector<112x1xi32> to vector<112x784xi32>
    %eq3A_11 = arith.cmpi eq, %iota3A, %eq3A : vector<112x784xi32>
    %jit3A_12 = arith.constant -3.000000e+38 : f32
    %broadcast_in_dim3A_13 = vector.broadcast %jit3A_12 : f32 to vector<112x784xf32>
    %select_n3A_14 = arith.select %eq3A_11, %broadcast_in_dim3A_13, %dot_general3A_5 : vector<112x784xi1>, vector<112x784xf32>
    %reduce_max3A_15 = arith.constant dense<0xFF800000> : vector<112xf32>
    %reduce_max3A_16 = vector.multi_reduction <maximumf>, %select_n3A_14, %reduce_max3A_15 [1] : vector<112x784xf32> to vector<112xf32>
    %broadcast_in_dim3A_17 = vector.shape_cast %reduce_max3A_16 : vector<112xf32> to vector<112x1xf32>
    %ge3A_18 = vector.broadcast %broadcast_in_dim3A_17 : vector<112x1xf32> to vector<112x784xf32>
    %ge3A_19 = arith.cmpf oge, %select_n3A_14, %ge3A_18 : vector<112x784xf32>
    %jit3A_20 = arith.constant 1073741824 : i32
    %broadcast_in_dim3A_21 = vector.broadcast %jit3A_20 : i32 to vector<112x784xi32>
    %select_n3A_22 = arith.select %ge3A_19, %iota3A, %broadcast_in_dim3A_21 : vector<112x784xi1>, vector<112x784xi32>
    %reduce_min3A_23 = arith.constant dense<2147483647> : vector<112xi32>
    %reduce_min3A_24 = vector.multi_reduction <minsi>, %select_n3A_22, %reduce_min3A_23 [1] : vector<112x784xi32> to vector<112xi32>
    %broadcast_in_dim3A_25 = vector.shape_cast %reduce_min3A_24 : vector<112xi32> to vector<112x1xi32>
    %eq3A_26 = vector.broadcast %broadcast_in_dim3A_25 : vector<112x1xi32> to vector<112x784xi32>
    %eq3A_27 = arith.cmpi eq, %iota3A, %eq3A_26 : vector<112x784xi32>
    %jit3A_28 = arith.constant -3.000000e+38 : f32
    %broadcast_in_dim3A_29 = vector.broadcast %jit3A_28 : f32 to vector<112x784xf32>
    %select_n3A_30 = arith.select %eq3A_27, %broadcast_in_dim3A_29, %select_n3A_14 : vector<112x784xi1>, vector<112x784xf32>
    %reduce_max3A_31 = arith.constant dense<0xFF800000> : vector<112xf32>
    %reduce_max3A_32 = vector.multi_reduction <maximumf>, %select_n3A_30, %reduce_max3A_31 [1] : vector<112x784xf32> to vector<112xf32>
    %broadcast_in_dim3A_33 = vector.shape_cast %reduce_max3A_32 : vector<112xf32> to vector<112x1xf32>
    %ge3A_34 = vector.broadcast %broadcast_in_dim3A_33 : vector<112x1xf32> to vector<112x784xf32>
    %ge3A_35 = arith.cmpf oge, %select_n3A_30, %ge3A_34 : vector<112x784xf32>
    %jit3A_36 = arith.constant 1073741824 : i32
    %broadcast_in_dim3A_37 = vector.broadcast %jit3A_36 : i32 to vector<112x784xi32>
    %select_n3A_38 = arith.select %ge3A_35, %iota3A, %broadcast_in_dim3A_37 : vector<112x784xi1>, vector<112x784xi32>
    %reduce_min3A_39 = arith.constant dense<2147483647> : vector<112xi32>
    %reduce_min3A_40 = vector.multi_reduction <minsi>, %select_n3A_38, %reduce_min3A_39 [1] : vector<112x784xi32> to vector<112xi32>
    %broadcast_in_dim3A_41 = vector.shape_cast %reduce_min3A_40 : vector<112xi32> to vector<112x1xi32>
    %eq3A_42 = vector.broadcast %broadcast_in_dim3A_41 : vector<112x1xi32> to vector<112x784xi32>
    %eq3A_43 = arith.cmpi eq, %iota3A, %eq3A_42 : vector<112x784xi32>
    %jit3A_44 = arith.constant -3.000000e+38 : f32
    %broadcast_in_dim3A_45 = vector.broadcast %jit3A_44 : f32 to vector<112x784xf32>
    %select_n3A_46 = arith.select %eq3A_43, %broadcast_in_dim3A_45, %select_n3A_30 : vector<112x784xi1>, vector<112x784xf32>
    %reduce_max3A_47 = arith.constant dense<0xFF800000> : vector<112xf32>
    %reduce_max3A_48 = vector.multi_reduction <maximumf>, %select_n3A_46, %reduce_max3A_47 [1] : vector<112x784xf32> to vector<112xf32>
    %broadcast_in_dim3A_49 = vector.shape_cast %reduce_max3A_48 : vector<112xf32> to vector<112x1xf32>
    %ge3A_50 = vector.broadcast %broadcast_in_dim3A_49 : vector<112x1xf32> to vector<112x784xf32>
    %ge3A_51 = arith.cmpf oge, %select_n3A_46, %ge3A_50 : vector<112x784xf32>
    %jit3A_52 = arith.constant 1073741824 : i32
    %broadcast_in_dim3A_53 = vector.broadcast %jit3A_52 : i32 to vector<112x784xi32>
    %select_n3A_54 = arith.select %ge3A_51, %iota3A, %broadcast_in_dim3A_53 : vector<112x784xi1>, vector<112x784xi32>
    %reduce_min3A_55 = arith.constant dense<2147483647> : vector<112xi32>
    %reduce_min3A_56 = vector.multi_reduction <minsi>, %select_n3A_54, %reduce_min3A_55 [1] : vector<112x784xi32> to vector<112xi32>
    %broadcast_in_dim3A_57 = vector.shape_cast %reduce_min3A_56 : vector<112xi32> to vector<112x1xi32>
    %concatenate3A = tpu.concatenate %broadcast_in_dim3A_10, %broadcast_in_dim3A_25, %broadcast_in_dim3A_41, %broadcast_in_dim3A_57 in 1 : vector<112x1xi32>, vector<112x1xi32>, vector<112x1xi32>, vector<112x1xi32> -> vector<112x4xi32>
    %swap3A = arith.constant 0 : index
    %swap3A_58 = arith.constant 0 : index
    %swap3A_59 = vector.load %arg3[%swap3A, %swap3A_58] : memref<112x4xi32, #tpu.memory_space<vmem>>, vector<112x4xi32>
    tpu.vector_store %arg3[%swap3A, %swap3A_58], %concatenate3A {strides = array<i32>} : memref<112x4xi32, #tpu.memory_space<vmem>>, vector<112x4xi32>,
    return
  }
  func.func @transform_0(%arg0: i32) -> (i32, i32) {
    %c0_i32 = arith.constant 0 : i32
    %c0_i32_0 = arith.constant 0 : i32
    return %arg0, %c0_i32 : i32, i32
  }
  func.func @transform_1(%arg0: i32) -> (i32, i32) {
    %c0_i32 = arith.constant 0 : i32
    %c0_i32_0 = arith.constant 0 : i32
    %c0_i32_1 = arith.constant 0 : i32
    return %c0_i32, %c0_i32_0 : i32, i32
  }
  func.func @transform_2(%arg0: i32) -> (i32, i32) {
    %c0_i32 = arith.constant 0 : i32
    %c0_i32_0 = arith.constant 0 : i32
    return %arg0, %c0_i32 : i32, i32
  }
}

module attributes {stable_mosaic.version = 14 : i64} {
  func.func @_qkv_kernel(%arg0: i32, %arg1: memref<1792x192xf32, #tpu.memory_space<vmem>>, %arg2: memref<192x576xf32, #tpu.memory_space<vmem>>, %arg3: memref<1x576xf32, #tpu.memory_space<vmem>>, %arg4: memref<1792x96xf32, #tpu.memory_space<vmem>>, %arg5: memref<1792x96xf32, #tpu.memory_space<vmem>>, %arg6: memref<1792x96xf32, #tpu.memory_space<vmem>>, %arg7: memref<1792x96xf32, #tpu.memory_space<vmem>>, %arg8: memref<1792x96xf32, #tpu.memory_space<vmem>>, %arg9: memref<1792x96xf32, #tpu.memory_space<vmem>>, %arg10: memref<1792x192xf32, #tpu.memory_space<vmem>>) attributes {dimension_semantics = [#tpu.dimension_semantics<arbitrary>], iteration_bounds = array<i64: 28>, scalar_prefetch = 0 : i64, scratch_operands = 0 : i64, tpu.core_type = #tpu.core_type<tc>, window_params = [{transform_indices = @transform_0, window_bounds = array<i64: 1792, 192>}, {pipeline_mode = #tpu.pipeline_mode<synchronous>, transform_indices = @transform_1, window_bounds = array<i64: 192, 576>}, {pipeline_mode = #tpu.pipeline_mode<synchronous>, transform_indices = @transform_2, window_bounds = array<i64: 1, 576>}, {transform_indices = @transform_3, window_bounds = array<i64: 1792, 96>}, {transform_indices = @transform_4, window_bounds = array<i64: 1792, 96>}, {transform_indices = @transform_5, window_bounds = array<i64: 1792, 96>}, {transform_indices = @transform_6, window_bounds = array<i64: 1792, 96>}, {transform_indices = @transform_7, window_bounds = array<i64: 1792, 96>}, {transform_indices = @transform_8, window_bounds = array<i64: 1792, 96>}, {transform_indices = @transform_9, window_bounds = array<i64: 1792, 192>}]} {
    %get3A = arith.constant 0 : index
    %get3A_0 = arith.constant 0 : index
    %get3A_1 = vector.load %arg1[%get3A, %get3A_0] : memref<1792x192xf32, #tpu.memory_space<vmem>>, vector<1792x192xf32>
    %get3A_2 = arith.constant 0 : index
    %get3A_3 = arith.constant 0 : index
    %get3A_4 = vector.load %arg2[%get3A_2, %get3A_3] : memref<192x576xf32, #tpu.memory_space<vmem>>, vector<192x576xf32>
    %dot_general3A = arith.constant dense<0.000000e+00> : vector<1792x576xf32>
    %dot_general3A_5 = tpu.matmul %get3A_1, %get3A_4, %dot_general3A {dimension_numbers = #tpu.dot_dimension_numbers<[1], [0], [0], [1], [0, 0, 1, 1], [], []>, transpose_lhs_hint = false} : vector<1792x192xf32>, vector<192x576xf32>, vector<1792x576xf32> -> vector<1792x576xf32>
    %get3A_6 = arith.constant 0 : index
    %get3A_7 = arith.constant 0 : index
    %get3A_8 = vector.load %arg3[%get3A_6, %get3A_7] : memref<1x576xf32, #tpu.memory_space<vmem>>, vector<1x576xf32>
    %add3A = vector.broadcast %get3A_8 : vector<1x576xf32> to vector<1792x576xf32>
    %add3A_9 = arith.addf %dot_general3A_5, %add3A : vector<1792x576xf32>
    %slice3A = vector.extract_strided_slice %add3A_9 {offsets = [0, 0], sizes = [1792, 96], strides = [1, 1]} : vector<1792x576xf32> to vector<1792x96xf32>
    %swap3A = arith.constant 0 : index
    %swap3A_10 = arith.constant 0 : index
    %swap3A_11 = vector.load %arg4[%swap3A, %swap3A_10] : memref<1792x96xf32, #tpu.memory_space<vmem>>, vector<1792x96xf32>
    tpu.vector_store %arg4[%swap3A, %swap3A_10], %slice3A {strides = array<i32>} : memref<1792x96xf32, #tpu.memory_space<vmem>>, vector<1792x96xf32>,
    %slice3A_12 = vector.extract_strided_slice %add3A_9 {offsets = [0, 96], sizes = [1792, 96], strides = [1, 1]} : vector<1792x576xf32> to vector<1792x96xf32>
    %swap3A_13 = arith.constant 0 : index
    %swap3A_14 = arith.constant 0 : index
    %swap3A_15 = vector.load %arg5[%swap3A_13, %swap3A_14] : memref<1792x96xf32, #tpu.memory_space<vmem>>, vector<1792x96xf32>
    tpu.vector_store %arg5[%swap3A_13, %swap3A_14], %slice3A_12 {strides = array<i32>} : memref<1792x96xf32, #tpu.memory_space<vmem>>, vector<1792x96xf32>,
    %slice3A_16 = vector.extract_strided_slice %add3A_9 {offsets = [0, 192], sizes = [1792, 96], strides = [1, 1]} : vector<1792x576xf32> to vector<1792x96xf32>
    %swap3A_17 = arith.constant 0 : index
    %swap3A_18 = arith.constant 0 : index
    %swap3A_19 = vector.load %arg6[%swap3A_17, %swap3A_18] : memref<1792x96xf32, #tpu.memory_space<vmem>>, vector<1792x96xf32>
    tpu.vector_store %arg6[%swap3A_17, %swap3A_18], %slice3A_16 {strides = array<i32>} : memref<1792x96xf32, #tpu.memory_space<vmem>>, vector<1792x96xf32>,
    %slice3A_20 = vector.extract_strided_slice %add3A_9 {offsets = [0, 288], sizes = [1792, 96], strides = [1, 1]} : vector<1792x576xf32> to vector<1792x96xf32>
    %swap3A_21 = arith.constant 0 : index
    %swap3A_22 = arith.constant 0 : index
    %swap3A_23 = vector.load %arg7[%swap3A_21, %swap3A_22] : memref<1792x96xf32, #tpu.memory_space<vmem>>, vector<1792x96xf32>
    tpu.vector_store %arg7[%swap3A_21, %swap3A_22], %slice3A_20 {strides = array<i32>} : memref<1792x96xf32, #tpu.memory_space<vmem>>, vector<1792x96xf32>,
    %slice3A_24 = vector.extract_strided_slice %add3A_9 {offsets = [0, 384], sizes = [1792, 96], strides = [1, 1]} : vector<1792x576xf32> to vector<1792x96xf32>
    %swap3A_25 = arith.constant 0 : index
    %swap3A_26 = arith.constant 0 : index
    %swap3A_27 = vector.load %arg8[%swap3A_25, %swap3A_26] : memref<1792x96xf32, #tpu.memory_space<vmem>>, vector<1792x96xf32>
    tpu.vector_store %arg8[%swap3A_25, %swap3A_26], %slice3A_24 {strides = array<i32>} : memref<1792x96xf32, #tpu.memory_space<vmem>>, vector<1792x96xf32>,
    %slice3A_28 = vector.extract_strided_slice %add3A_9 {offsets = [0, 480], sizes = [1792, 96], strides = [1, 1]} : vector<1792x576xf32> to vector<1792x96xf32>
    %swap3A_29 = arith.constant 0 : index
    %swap3A_30 = arith.constant 0 : index
    %swap3A_31 = vector.load %arg9[%swap3A_29, %swap3A_30] : memref<1792x96xf32, #tpu.memory_space<vmem>>, vector<1792x96xf32>
    tpu.vector_store %arg9[%swap3A_29, %swap3A_30], %slice3A_28 {strides = array<i32>} : memref<1792x96xf32, #tpu.memory_space<vmem>>, vector<1792x96xf32>,
    %slice3A_32 = vector.extract_strided_slice %add3A_9 {offsets = [0, 480], sizes = [1792, 96], strides = [1, 1]} : vector<1792x576xf32> to vector<1792x96xf32>
    %slice3A_33 = vector.extract_strided_slice %add3A_9 {offsets = [0, 192], sizes = [1792, 96], strides = [1, 1]} : vector<1792x576xf32> to vector<1792x96xf32>
    %concatenate3A = tpu.concatenate %slice3A_32, %slice3A_33 in 1 : vector<1792x96xf32>, vector<1792x96xf32> -> vector<1792x192xf32>
    %swap3A_34 = arith.constant 0 : index
    %swap3A_35 = arith.constant 0 : index
    %swap3A_36 = vector.load %arg10[%swap3A_34, %swap3A_35] : memref<1792x192xf32, #tpu.memory_space<vmem>>, vector<1792x192xf32>
    tpu.vector_store %arg10[%swap3A_34, %swap3A_35], %concatenate3A {strides = array<i32>} : memref<1792x192xf32, #tpu.memory_space<vmem>>, vector<1792x192xf32>,
    return
  }
  func.func @transform_0(%arg0: i32) -> (i32, i32) {
    %c0_i32 = arith.constant 0 : i32
    %c0_i32_0 = arith.constant 0 : i32
    return %arg0, %c0_i32 : i32, i32
  }
  func.func @transform_1(%arg0: i32) -> (i32, i32) {
    %c0_i32 = arith.constant 0 : i32
    %c0_i32_0 = arith.constant 0 : i32
    %c0_i32_1 = arith.constant 0 : i32
    return %c0_i32, %c0_i32_0 : i32, i32
  }
  func.func @transform_2(%arg0: i32) -> (i32, i32) {
    %c0_i32 = arith.constant 0 : i32
    %c0_i32_0 = arith.constant 0 : i32
    %c0_i32_1 = arith.constant 0 : i32
    return %c0_i32, %c0_i32_0 : i32, i32
  }
  func.func @transform_3(%arg0: i32) -> (i32, i32) {
    %c0_i32 = arith.constant 0 : i32
    %c0_i32_0 = arith.constant 0 : i32
    return %arg0, %c0_i32 : i32, i32
  }
  func.func @transform_4(%arg0: i32) -> (i32, i32) {
    %c0_i32 = arith.constant 0 : i32
    %c0_i32_0 = arith.constant 0 : i32
    return %arg0, %c0_i32 : i32, i32
  }
  func.func @transform_5(%arg0: i32) -> (i32, i32) {
    %c0_i32 = arith.constant 0 : i32
    %c0_i32_0 = arith.constant 0 : i32
    return %arg0, %c0_i32 : i32, i32
  }
  func.func @transform_6(%arg0: i32) -> (i32, i32) {
    %c0_i32 = arith.constant 0 : i32
    %c0_i32_0 = arith.constant 0 : i32
    return %arg0, %c0_i32 : i32, i32
  }
  func.func @transform_7(%arg0: i32) -> (i32, i32) {
    %c0_i32 = arith.constant 0 : i32
    %c0_i32_0 = arith.constant 0 : i32
    return %arg0, %c0_i32 : i32, i32
  }
  func.func @transform_8(%arg0: i32) -> (i32, i32) {
    %c0_i32 = arith.constant 0 : i32
    %c0_i32_0 = arith.constant 0 : i32
    return %arg0, %c0_i32 : i32, i32
  }
  func.func @transform_9(%arg0: i32) -> (i32, i32) {
    %c0_i32 = arith.constant 0 : i32
    %c0_i32_0 = arith.constant 0 : i32
    return %arg0, %c0_i32 : i32, i32
  }
}

module attributes {stable_mosaic.version = 14 : i64} {
  func.func @_pool_kernel(%arg0: i32, %arg1: memref<8x224x96xf32, #tpu.memory_space<vmem>>, %arg2: memref<8x224x96xf32, #tpu.memory_space<vmem>>, %arg3: memref<28x1x96xf32, #tpu.memory_space<vmem>>, %arg4: memref<28x1x96xf32, #tpu.memory_space<vmem>>) attributes {dimension_semantics = [#tpu.dimension_semantics<arbitrary>], iteration_bounds = array<i64: 28>, scalar_prefetch = 0 : i64, scratch_operands = 0 : i64, tpu.core_type = #tpu.core_type<tc>, window_params = [{transform_indices = @transform_0, window_bounds = array<i64: 8, 224, 96>}, {transform_indices = @transform_1, window_bounds = array<i64: 8, 224, 96>}, {transform_indices = @transform_2, window_bounds = array<i64: 28, 1, 96>}, {transform_indices = @transform_3, window_bounds = array<i64: 28, 1, 96>}]} {
    %get3A = arith.constant 0 : index
    %get3A_0 = arith.constant 0 : index
    %get3A_1 = arith.constant 0 : index
    %get3A_2 = vector.load %arg1[%get3A, %get3A_0, %get3A_1] : memref<8x224x96xf32, #tpu.memory_space<vmem>>, vector<8x224x96xf32>
    %reduce_sum3A = arith.constant dense<0.000000e+00> : vector<224x96xf32>
    %reduce_sum3A_3 = vector.multi_reduction <add>, %get3A_2, %reduce_sum3A [0] : vector<8x224x96xf32> to vector<224x96xf32>
    %reshape3A = vector.shape_cast %reduce_sum3A_3 : vector<224x96xf32> to vector<28x8x96xf32>
    %slice3A = vector.extract_strided_slice %reshape3A {offsets = [0, 0, 0], sizes = [28, 1, 96], strides = [1, 1, 1]} : vector<28x8x96xf32> to vector<28x1x96xf32>
    %squeeze3A = vector.shape_cast %slice3A : vector<28x1x96xf32> to vector<28x96xf32>
    %slice3A_4 = vector.extract_strided_slice %reshape3A {offsets = [0, 1, 0], sizes = [28, 1, 96], strides = [1, 1, 1]} : vector<28x8x96xf32> to vector<28x1x96xf32>
    %squeeze3A_5 = vector.shape_cast %slice3A_4 : vector<28x1x96xf32> to vector<28x96xf32>
    %add3A = arith.addf %squeeze3A, %squeeze3A_5 : vector<28x96xf32>
    %slice3A_6 = vector.extract_strided_slice %reshape3A {offsets = [0, 2, 0], sizes = [28, 1, 96], strides = [1, 1, 1]} : vector<28x8x96xf32> to vector<28x1x96xf32>
    %squeeze3A_7 = vector.shape_cast %slice3A_6 : vector<28x1x96xf32> to vector<28x96xf32>
    %add3A_8 = arith.addf %add3A, %squeeze3A_7 : vector<28x96xf32>
    %slice3A_9 = vector.extract_strided_slice %reshape3A {offsets = [0, 3, 0], sizes = [28, 1, 96], strides = [1, 1, 1]} : vector<28x8x96xf32> to vector<28x1x96xf32>
    %squeeze3A_10 = vector.shape_cast %slice3A_9 : vector<28x1x96xf32> to vector<28x96xf32>
    %add3A_11 = arith.addf %add3A_8, %squeeze3A_10 : vector<28x96xf32>
    %slice3A_12 = vector.extract_strided_slice %reshape3A {offsets = [0, 4, 0], sizes = [28, 1, 96], strides = [1, 1, 1]} : vector<28x8x96xf32> to vector<28x1x96xf32>
    %squeeze3A_13 = vector.shape_cast %slice3A_12 : vector<28x1x96xf32> to vector<28x96xf32>
    %add3A_14 = arith.addf %add3A_11, %squeeze3A_13 : vector<28x96xf32>
    %slice3A_15 = vector.extract_strided_slice %reshape3A {offsets = [0, 5, 0], sizes = [28, 1, 96], strides = [1, 1, 1]} : vector<28x8x96xf32> to vector<28x1x96xf32>
    %squeeze3A_16 = vector.shape_cast %slice3A_15 : vector<28x1x96xf32> to vector<28x96xf32>
    %add3A_17 = arith.addf %add3A_14, %squeeze3A_16 : vector<28x96xf32>
    %slice3A_18 = vector.extract_strided_slice %reshape3A {offsets = [0, 6, 0], sizes = [28, 1, 96], strides = [1, 1, 1]} : vector<28x8x96xf32> to vector<28x1x96xf32>
    %squeeze3A_19 = vector.shape_cast %slice3A_18 : vector<28x1x96xf32> to vector<28x96xf32>
    %add3A_20 = arith.addf %add3A_17, %squeeze3A_19 : vector<28x96xf32>
    %slice3A_21 = vector.extract_strided_slice %reshape3A {offsets = [0, 7, 0], sizes = [28, 1, 96], strides = [1, 1, 1]} : vector<28x8x96xf32> to vector<28x1x96xf32>
    %squeeze3A_22 = vector.shape_cast %slice3A_21 : vector<28x1x96xf32> to vector<28x96xf32>
    %add3A_23 = arith.addf %add3A_20, %squeeze3A_22 : vector<28x96xf32>
    %mul3A = arith.constant 1.562500e-02 : f32
    %mul3A_24 = vector.broadcast %mul3A : f32 to vector<28x96xf32>
    %mul3A_25 = arith.mulf %add3A_23, %mul3A_24 : vector<28x96xf32>
    %reshape3A_26 = vector.shape_cast %mul3A_25 : vector<28x96xf32> to vector<28x1x96xf32>
    %swap3A = arith.constant 0 : index
    %swap3A_27 = arith.constant 0 : index
    %swap3A_28 = arith.constant 0 : index
    %swap3A_29 = vector.load %arg3[%swap3A, %swap3A_27, %swap3A_28] : memref<28x1x96xf32, #tpu.memory_space<vmem>>, vector<28x1x96xf32>
    tpu.vector_store %arg3[%swap3A, %swap3A_27, %swap3A_28], %reshape3A_26 {strides = array<i32>} : memref<28x1x96xf32, #tpu.memory_space<vmem>>, vector<28x1x96xf32>,
    %get3A_30 = arith.constant 0 : index
    %get3A_31 = arith.constant 0 : index
    %get3A_32 = arith.constant 0 : index
    %get3A_33 = vector.load %arg2[%get3A_30, %get3A_31, %get3A_32] : memref<8x224x96xf32, #tpu.memory_space<vmem>>, vector<8x224x96xf32>
    %reduce_sum3A_34 = arith.constant dense<0.000000e+00> : vector<224x96xf32>
    %reduce_sum3A_35 = vector.multi_reduction <add>, %get3A_33, %reduce_sum3A_34 [0] : vector<8x224x96xf32> to vector<224x96xf32>
    %reshape3A_36 = vector.shape_cast %reduce_sum3A_35 : vector<224x96xf32> to vector<28x8x96xf32>
    %slice3A_37 = vector.extract_strided_slice %reshape3A_36 {offsets = [0, 0, 0], sizes = [28, 1, 96], strides = [1, 1, 1]} : vector<28x8x96xf32> to vector<28x1x96xf32>
    %squeeze3A_38 = vector.shape_cast %slice3A_37 : vector<28x1x96xf32> to vector<28x96xf32>
    %slice3A_39 = vector.extract_strided_slice %reshape3A_36 {offsets = [0, 1, 0], sizes = [28, 1, 96], strides = [1, 1, 1]} : vector<28x8x96xf32> to vector<28x1x96xf32>
    %squeeze3A_40 = vector.shape_cast %slice3A_39 : vector<28x1x96xf32> to vector<28x96xf32>
    %add3A_41 = arith.addf %squeeze3A_38, %squeeze3A_40 : vector<28x96xf32>
    %slice3A_42 = vector.extract_strided_slice %reshape3A_36 {offsets = [0, 2, 0], sizes = [28, 1, 96], strides = [1, 1, 1]} : vector<28x8x96xf32> to vector<28x1x96xf32>
    %squeeze3A_43 = vector.shape_cast %slice3A_42 : vector<28x1x96xf32> to vector<28x96xf32>
    %add3A_44 = arith.addf %add3A_41, %squeeze3A_43 : vector<28x96xf32>
    %slice3A_45 = vector.extract_strided_slice %reshape3A_36 {offsets = [0, 3, 0], sizes = [28, 1, 96], strides = [1, 1, 1]} : vector<28x8x96xf32> to vector<28x1x96xf32>
    %squeeze3A_46 = vector.shape_cast %slice3A_45 : vector<28x1x96xf32> to vector<28x96xf32>
    %add3A_47 = arith.addf %add3A_44, %squeeze3A_46 : vector<28x96xf32>
    %slice3A_48 = vector.extract_strided_slice %reshape3A_36 {offsets = [0, 4, 0], sizes = [28, 1, 96], strides = [1, 1, 1]} : vector<28x8x96xf32> to vector<28x1x96xf32>
    %squeeze3A_49 = vector.shape_cast %slice3A_48 : vector<28x1x96xf32> to vector<28x96xf32>
    %add3A_50 = arith.addf %add3A_47, %squeeze3A_49 : vector<28x96xf32>
    %slice3A_51 = vector.extract_strided_slice %reshape3A_36 {offsets = [0, 5, 0], sizes = [28, 1, 96], strides = [1, 1, 1]} : vector<28x8x96xf32> to vector<28x1x96xf32>
    %squeeze3A_52 = vector.shape_cast %slice3A_51 : vector<28x1x96xf32> to vector<28x96xf32>
    %add3A_53 = arith.addf %add3A_50, %squeeze3A_52 : vector<28x96xf32>
    %slice3A_54 = vector.extract_strided_slice %reshape3A_36 {offsets = [0, 6, 0], sizes = [28, 1, 96], strides = [1, 1, 1]} : vector<28x8x96xf32> to vector<28x1x96xf32>
    %squeeze3A_55 = vector.shape_cast %slice3A_54 : vector<28x1x96xf32> to vector<28x96xf32>
    %add3A_56 = arith.addf %add3A_53, %squeeze3A_55 : vector<28x96xf32>
    %slice3A_57 = vector.extract_strided_slice %reshape3A_36 {offsets = [0, 7, 0], sizes = [28, 1, 96], strides = [1, 1, 1]} : vector<28x8x96xf32> to vector<28x1x96xf32>
    %squeeze3A_58 = vector.shape_cast %slice3A_57 : vector<28x1x96xf32> to vector<28x96xf32>
    %add3A_59 = arith.addf %add3A_56, %squeeze3A_58 : vector<28x96xf32>
    %mul3A_60 = arith.constant 1.562500e-02 : f32
    %mul3A_61 = vector.broadcast %mul3A_60 : f32 to vector<28x96xf32>
    %mul3A_62 = arith.mulf %add3A_59, %mul3A_61 : vector<28x96xf32>
    %reshape3A_63 = vector.shape_cast %mul3A_62 : vector<28x96xf32> to vector<28x1x96xf32>
    %swap3A_64 = arith.constant 0 : index
    %swap3A_65 = arith.constant 0 : index
    %swap3A_66 = arith.constant 0 : index
    %swap3A_67 = vector.load %arg4[%swap3A_64, %swap3A_65, %swap3A_66] : memref<28x1x96xf32, #tpu.memory_space<vmem>>, vector<28x1x96xf32>
    tpu.vector_store %arg4[%swap3A_64, %swap3A_65, %swap3A_66], %reshape3A_63 {strides = array<i32>} : memref<28x1x96xf32, #tpu.memory_space<vmem>>, vector<28x1x96xf32>,
    return
  }
  func.func @transform_0(%arg0: i32) -> (i32, i32, i32) {
    %c0_i32 = arith.constant 0 : i32
    %c0_i32_0 = arith.constant 0 : i32
    %c0_i32_1 = arith.constant 0 : i32
    return %arg0, %c0_i32, %c0_i32_0 : i32, i32, i32
  }
  func.func @transform_1(%arg0: i32) -> (i32, i32, i32) {
    %c0_i32 = arith.constant 0 : i32
    %c0_i32_0 = arith.constant 0 : i32
    %c0_i32_1 = arith.constant 0 : i32
    return %arg0, %c0_i32, %c0_i32_0 : i32, i32, i32
  }
  func.func @transform_2(%arg0: i32) -> (i32, i32, i32) {
    %c0_i32 = arith.constant 0 : i32
    %c0_i32_0 = arith.constant 0 : i32
    %c0_i32_1 = arith.constant 0 : i32
    return %arg0, %c0_i32, %c0_i32_0 : i32, i32, i32
  }
  func.func @transform_3(%arg0: i32) -> (i32, i32, i32) {
    %c0_i32 = arith.constant 0 : i32
    %c0_i32_0 = arith.constant 0 : i32
    %c0_i32_1 = arith.constant 0 : i32
    return %arg0, %c0_i32, %c0_i32_0 : i32, i32, i32
  }
}

module attributes {stable_mosaic.version = 14 : i64} {
  func.func @_win_attn_kernel(%arg0: i32, %arg1: i32, %arg2: memref<8x16x96xf32, #tpu.memory_space<vmem>>, %arg3: memref<8x16x96xf32, #tpu.memory_space<vmem>>, %arg4: memref<8x16x96xf32, #tpu.memory_space<vmem>>, %arg5: memref<1024x96xf32, #tpu.memory_space<vmem>>, %arg6: memref<1024x128xf32, #tpu.memory_space<vmem>>, %arg7: memref<8x96xf32, #tpu.memory_space<vmem>>, %arg8: memref<8x16x96xf32, #tpu.memory_space<vmem>>) attributes {dimension_semantics = [#tpu.dimension_semantics<arbitrary>, #tpu.dimension_semantics<arbitrary>], iteration_bounds = array<i64: 28, 14>, scalar_prefetch = 0 : i64, scratch_operands = 0 : i64, tpu.core_type = #tpu.core_type<tc>, window_params = [{transform_indices = @transform_0, window_bounds = array<i64: 8, 16, 96>}, {transform_indices = @transform_1, window_bounds = array<i64: 8, 16, 96>}, {transform_indices = @transform_2, window_bounds = array<i64: 8, 16, 96>}, {pipeline_mode = #tpu.pipeline_mode<synchronous>, transform_indices = @transform_3, window_bounds = array<i64: 1024, 96>}, {pipeline_mode = #tpu.pipeline_mode<synchronous>, transform_indices = @transform_4, window_bounds = array<i64: 1024, 128>}, {pipeline_mode = #tpu.pipeline_mode<synchronous>, transform_indices = @transform_5, window_bounds = array<i64: 8, 96>}, {transform_indices = @transform_6, window_bounds = array<i64: 8, 16, 96>}]} {
    %get3A = arith.constant 0 : index
    %get3A_0 = arith.constant 0 : index
    %get3A_1 = arith.constant 0 : index
    %get3A_2 = vector.load %arg2[%get3A, %get3A_0, %get3A_1] : memref<8x16x96xf32, #tpu.memory_space<vmem>>, vector<8x8x96xf32>
    %reshape3A = vector.shape_cast %get3A_2 : vector<8x8x96xf32> to vector<64x96xf32>
    %get3A_3 = arith.constant 0 : index
    %get3A_4 = arith.constant 8 : index
    %get3A_5 = arith.constant 0 : index
    %get3A_6 = vector.load %arg2[%get3A_3, %get3A_4, %get3A_5] : memref<8x16x96xf32, #tpu.memory_space<vmem>>, vector<8x8x96xf32>
    %reshape3A_7 = vector.shape_cast %get3A_6 : vector<8x8x96xf32> to vector<64x96xf32>
    %concatenate3A = tpu.concatenate %reshape3A, %reshape3A, %reshape3A, %reshape3A, %reshape3A, %reshape3A, %reshape3A, %reshape3A, %reshape3A_7, %reshape3A_7, %reshape3A_7, %reshape3A_7, %reshape3A_7, %reshape3A_7, %reshape3A_7, %reshape3A_7 in 0 : vector<64x96xf32>, vector<64x96xf32>, vector<64x96xf32>, vector<64x96xf32>, vector<64x96xf32>, vector<64x96xf32>, vector<64x96xf32>, vector<64x96xf32>, vector<64x96xf32>, vector<64x96xf32>, vector<64x96xf32>, vector<64x96xf32>, vector<64x96xf32>, vector<64x96xf32>, vector<64x96xf32>, vector<64x96xf32> -> vector<1024x96xf32>
    %get3A_8 = arith.constant 0 : index
    %get3A_9 = arith.constant 0 : index
    %get3A_10 = vector.load %arg5[%get3A_8, %get3A_9] : memref<1024x96xf32, #tpu.memory_space<vmem>>, vector<1024x96xf32>
    %mul3A = arith.mulf %concatenate3A, %get3A_10 : vector<1024x96xf32>
    %get3A_11 = arith.constant 0 : index
    %get3A_12 = arith.constant 0 : index
    %get3A_13 = arith.constant 0 : index
    %get3A_14 = vector.load %arg3[%get3A_11, %get3A_12, %get3A_13] : memref<8x16x96xf32, #tpu.memory_space<vmem>>, vector<8x8x96xf32>
    %reshape3A_15 = vector.shape_cast %get3A_14 : vector<8x8x96xf32> to vector<64x96xf32>
    %get3A_16 = arith.constant 0 : index
    %get3A_17 = arith.constant 8 : index
    %get3A_18 = arith.constant 0 : index
    %get3A_19 = vector.load %arg3[%get3A_16, %get3A_17, %get3A_18] : memref<8x16x96xf32, #tpu.memory_space<vmem>>, vector<8x8x96xf32>
    %reshape3A_20 = vector.shape_cast %get3A_19 : vector<8x8x96xf32> to vector<64x96xf32>
    %concatenate3A_21 = tpu.concatenate %reshape3A_15, %reshape3A_20 in 0 : vector<64x96xf32>, vector<64x96xf32> -> vector<128x96xf32>
    %get3A_22 = arith.constant 0 : index
    %get3A_23 = arith.constant 0 : index
    %get3A_24 = arith.constant 0 : index
    %get3A_25 = vector.load %arg4[%get3A_22, %get3A_23, %get3A_24] : memref<8x16x96xf32, #tpu.memory_space<vmem>>, vector<8x8x96xf32>
    %reshape3A_26 = vector.shape_cast %get3A_25 : vector<8x8x96xf32> to vector<64x96xf32>
    %get3A_27 = arith.constant 0 : index
    %get3A_28 = arith.constant 8 : index
    %get3A_29 = arith.constant 0 : index
    %get3A_30 = vector.load %arg4[%get3A_27, %get3A_28, %get3A_29] : memref<8x16x96xf32, #tpu.memory_space<vmem>>, vector<8x8x96xf32>
    %reshape3A_31 = vector.shape_cast %get3A_30 : vector<8x8x96xf32> to vector<64x96xf32>
    %concatenate3A_32 = tpu.concatenate %reshape3A_26, %reshape3A_31 in 0 : vector<64x96xf32>, vector<64x96xf32> -> vector<128x96xf32>
    %dot_general3A = arith.constant dense<0.000000e+00> : vector<1024x128xf32>
    %dot_general3A_33 = tpu.matmul %mul3A, %concatenate3A_21, %dot_general3A {dimension_numbers = #tpu.dot_dimension_numbers<[1], [1], [0], [0], [0, 0, 1, 0], [], []>, transpose_lhs_hint = false} : vector<1024x96xf32>, vector<128x96xf32>, vector<1024x128xf32> -> vector<1024x128xf32>
    %get3A_34 = arith.constant 0 : index
    %get3A_35 = arith.constant 0 : index
    %get3A_36 = vector.load %arg6[%get3A_34, %get3A_35] : memref<1024x128xf32, #tpu.memory_space<vmem>>, vector<1024x128xf32>
    %add3A = arith.addf %dot_general3A_33, %get3A_36 : vector<1024x128xf32>
    %reduce_max3A = arith.constant dense<0xFF800000> : vector<1024xf32>
    %reduce_max3A_37 = vector.multi_reduction <maximumf>, %add3A, %reduce_max3A [1] : vector<1024x128xf32> to vector<1024xf32>
    %broadcast_in_dim3A = vector.shape_cast %reduce_max3A_37 : vector<1024xf32> to vector<1024x1xf32>
    %sub3A = vector.broadcast %broadcast_in_dim3A : vector<1024x1xf32> to vector<1024x128xf32>
    %sub3A_38 = arith.subf %add3A, %sub3A : vector<1024x128xf32>
    %exp3A = math.exp %sub3A_38 : vector<1024x128xf32>
    %reduce_sum3A = arith.constant dense<0.000000e+00> : vector<1024xf32>
    %reduce_sum3A_39 = vector.multi_reduction <add>, %exp3A, %reduce_sum3A [1] : vector<1024x128xf32> to vector<1024xf32>
    %broadcast_in_dim3A_40 = vector.shape_cast %reduce_sum3A_39 : vector<1024xf32> to vector<1024x1xf32>
    %div3A = arith.constant 1.000000e+00 : f32
    %div3A_41 = vector.broadcast %div3A : f32 to vector<1024x1xf32>
    %div3A_42 = arith.divf %div3A_41, %broadcast_in_dim3A_40 : vector<1024x1xf32>
    %mul3A_43 = vector.broadcast %div3A_42 : vector<1024x1xf32> to vector<1024x128xf32>
    %mul3A_44 = arith.mulf %exp3A, %mul3A_43 : vector<1024x128xf32>
    %dot_general3A_45 = arith.constant dense<0.000000e+00> : vector<1024x96xf32>
    %dot_general3A_46 = tpu.matmul %mul3A_44, %concatenate3A_32, %dot_general3A_45 {dimension_numbers = #tpu.dot_dimension_numbers<[1], [0], [0], [1], [0, 0, 1, 1], [], []>, transpose_lhs_hint = false} : vector<1024x128xf32>, vector<128x96xf32>, vector<1024x96xf32> -> vector<1024x96xf32>
    %slice3A = vector.extract_strided_slice %dot_general3A_46 {offsets = [0, 0], sizes = [64, 96], strides = [1, 1]} : vector<1024x96xf32> to vector<64x96xf32>
    %get3A_47 = arith.constant 0 : index
    %get3A_48 = arith.constant 0 : index
    %get3A_49 = vector.load %arg7[%get3A_47, %get3A_48] : memref<8x96xf32, #tpu.memory_space<vmem>>, vector<1x96xf32>
    %mul3A_50 = vector.broadcast %get3A_49 : vector<1x96xf32> to vector<64x96xf32>
    %mul3A_51 = arith.mulf %slice3A, %mul3A_50 : vector<64x96xf32>
    %slice3A_52 = vector.extract_strided_slice %dot_general3A_46 {offsets = [64, 0], sizes = [64, 96], strides = [1, 1]} : vector<1024x96xf32> to vector<64x96xf32>
    %get3A_53 = arith.constant 1 : index
    %get3A_54 = arith.constant 0 : index
    %get3A_55 = vector.load %arg7[%get3A_53, %get3A_54] : memref<8x96xf32, #tpu.memory_space<vmem>>, vector<1x96xf32>
    %mul3A_56 = vector.broadcast %get3A_55 : vector<1x96xf32> to vector<64x96xf32>
    %mul3A_57 = arith.mulf %slice3A_52, %mul3A_56 : vector<64x96xf32>
    %add3A_58 = arith.addf %mul3A_51, %mul3A_57 : vector<64x96xf32>
    %slice3A_59 = vector.extract_strided_slice %dot_general3A_46 {offsets = [128, 0], sizes = [64, 96], strides = [1, 1]} : vector<1024x96xf32> to vector<64x96xf32>
    %get3A_60 = arith.constant 2 : index
    %get3A_61 = arith.constant 0 : index
    %get3A_62 = vector.load %arg7[%get3A_60, %get3A_61] : memref<8x96xf32, #tpu.memory_space<vmem>>, vector<1x96xf32>
    %mul3A_63 = vector.broadcast %get3A_62 : vector<1x96xf32> to vector<64x96xf32>
    %mul3A_64 = arith.mulf %slice3A_59, %mul3A_63 : vector<64x96xf32>
    %add3A_65 = arith.addf %add3A_58, %mul3A_64 : vector<64x96xf32>
    %slice3A_66 = vector.extract_strided_slice %dot_general3A_46 {offsets = [192, 0], sizes = [64, 96], strides = [1, 1]} : vector<1024x96xf32> to vector<64x96xf32>
    %get3A_67 = arith.constant 3 : index
    %get3A_68 = arith.constant 0 : index
    %get3A_69 = vector.load %arg7[%get3A_67, %get3A_68] : memref<8x96xf32, #tpu.memory_space<vmem>>, vector<1x96xf32>
    %mul3A_70 = vector.broadcast %get3A_69 : vector<1x96xf32> to vector<64x96xf32>
    %mul3A_71 = arith.mulf %slice3A_66, %mul3A_70 : vector<64x96xf32>
    %add3A_72 = arith.addf %add3A_65, %mul3A_71 : vector<64x96xf32>
    %slice3A_73 = vector.extract_strided_slice %dot_general3A_46 {offsets = [256, 0], sizes = [64, 96], strides = [1, 1]} : vector<1024x96xf32> to vector<64x96xf32>
    %get3A_74 = arith.constant 4 : index
    %get3A_75 = arith.constant 0 : index
    %get3A_76 = vector.load %arg7[%get3A_74, %get3A_75] : memref<8x96xf32, #tpu.memory_space<vmem>>, vector<1x96xf32>
    %mul3A_77 = vector.broadcast %get3A_76 : vector<1x96xf32> to vector<64x96xf32>
    %mul3A_78 = arith.mulf %slice3A_73, %mul3A_77 : vector<64x96xf32>
    %add3A_79 = arith.addf %add3A_72, %mul3A_78 : vector<64x96xf32>
    %slice3A_80 = vector.extract_strided_slice %dot_general3A_46 {offsets = [320, 0], sizes = [64, 96], strides = [1, 1]} : vector<1024x96xf32> to vector<64x96xf32>
    %get3A_81 = arith.constant 5 : index
    %get3A_82 = arith.constant 0 : index
    %get3A_83 = vector.load %arg7[%get3A_81, %get3A_82] : memref<8x96xf32, #tpu.memory_space<vmem>>, vector<1x96xf32>
    %mul3A_84 = vector.broadcast %get3A_83 : vector<1x96xf32> to vector<64x96xf32>
    %mul3A_85 = arith.mulf %slice3A_80, %mul3A_84 : vector<64x96xf32>
    %add3A_86 = arith.addf %add3A_79, %mul3A_85 : vector<64x96xf32>
    %slice3A_87 = vector.extract_strided_slice %dot_general3A_46 {offsets = [384, 0], sizes = [64, 96], strides = [1, 1]} : vector<1024x96xf32> to vector<64x96xf32>
    %get3A_88 = arith.constant 6 : index
    %get3A_89 = arith.constant 0 : index
    %get3A_90 = vector.load %arg7[%get3A_88, %get3A_89] : memref<8x96xf32, #tpu.memory_space<vmem>>, vector<1x96xf32>
    %mul3A_91 = vector.broadcast %get3A_90 : vector<1x96xf32> to vector<64x96xf32>
    %mul3A_92 = arith.mulf %slice3A_87, %mul3A_91 : vector<64x96xf32>
    %add3A_93 = arith.addf %add3A_86, %mul3A_92 : vector<64x96xf32>
    %slice3A_94 = vector.extract_strided_slice %dot_general3A_46 {offsets = [448, 0], sizes = [64, 96], strides = [1, 1]} : vector<1024x96xf32> to vector<64x96xf32>
    %get3A_95 = arith.constant 7 : index
    %get3A_96 = arith.constant 0 : index
    %get3A_97 = vector.load %arg7[%get3A_95, %get3A_96] : memref<8x96xf32, #tpu.memory_space<vmem>>, vector<1x96xf32>
    %mul3A_98 = vector.broadcast %get3A_97 : vector<1x96xf32> to vector<64x96xf32>
    %mul3A_99 = arith.mulf %slice3A_94, %mul3A_98 : vector<64x96xf32>
    %add3A_100 = arith.addf %add3A_93, %mul3A_99 : vector<64x96xf32>
    %reshape3A_101 = vector.shape_cast %add3A_100 : vector<64x96xf32> to vector<8x8x96xf32>
    %swap3A = arith.constant 0 : index
    %swap3A_102 = arith.constant 0 : index
    %swap3A_103 = arith.constant 0 : index
    %swap3A_104 = vector.load %arg8[%swap3A, %swap3A_102, %swap3A_103] : memref<8x16x96xf32, #tpu.memory_space<vmem>>, vector<8x8x96xf32>
    tpu.vector_store %arg8[%swap3A, %swap3A_102, %swap3A_103], %reshape3A_101 {strides = array<i32>} : memref<8x16x96xf32, #tpu.memory_space<vmem>>, vector<8x8x96xf32>,
    %slice3A_105 = vector.extract_strided_slice %dot_general3A_46 {offsets = [512, 0], sizes = [64, 96], strides = [1, 1]} : vector<1024x96xf32> to vector<64x96xf32>
    %get3A_106 = arith.constant 0 : index
    %get3A_107 = arith.constant 0 : index
    %get3A_108 = vector.load %arg7[%get3A_106, %get3A_107] : memref<8x96xf32, #tpu.memory_space<vmem>>, vector<1x96xf32>
    %mul3A_109 = vector.broadcast %get3A_108 : vector<1x96xf32> to vector<64x96xf32>
    %mul3A_110 = arith.mulf %slice3A_105, %mul3A_109 : vector<64x96xf32>
    %slice3A_111 = vector.extract_strided_slice %dot_general3A_46 {offsets = [576, 0], sizes = [64, 96], strides = [1, 1]} : vector<1024x96xf32> to vector<64x96xf32>
    %get3A_112 = arith.constant 1 : index
    %get3A_113 = arith.constant 0 : index
    %get3A_114 = vector.load %arg7[%get3A_112, %get3A_113] : memref<8x96xf32, #tpu.memory_space<vmem>>, vector<1x96xf32>
    %mul3A_115 = vector.broadcast %get3A_114 : vector<1x96xf32> to vector<64x96xf32>
    %mul3A_116 = arith.mulf %slice3A_111, %mul3A_115 : vector<64x96xf32>
    %add3A_117 = arith.addf %mul3A_110, %mul3A_116 : vector<64x96xf32>
    %slice3A_118 = vector.extract_strided_slice %dot_general3A_46 {offsets = [640, 0], sizes = [64, 96], strides = [1, 1]} : vector<1024x96xf32> to vector<64x96xf32>
    %get3A_119 = arith.constant 2 : index
    %get3A_120 = arith.constant 0 : index
    %get3A_121 = vector.load %arg7[%get3A_119, %get3A_120] : memref<8x96xf32, #tpu.memory_space<vmem>>, vector<1x96xf32>
    %mul3A_122 = vector.broadcast %get3A_121 : vector<1x96xf32> to vector<64x96xf32>
    %mul3A_123 = arith.mulf %slice3A_118, %mul3A_122 : vector<64x96xf32>
    %add3A_124 = arith.addf %add3A_117, %mul3A_123 : vector<64x96xf32>
    %slice3A_125 = vector.extract_strided_slice %dot_general3A_46 {offsets = [704, 0], sizes = [64, 96], strides = [1, 1]} : vector<1024x96xf32> to vector<64x96xf32>
    %get3A_126 = arith.constant 3 : index
    %get3A_127 = arith.constant 0 : index
    %get3A_128 = vector.load %arg7[%get3A_126, %get3A_127] : memref<8x96xf32, #tpu.memory_space<vmem>>, vector<1x96xf32>
    %mul3A_129 = vector.broadcast %get3A_128 : vector<1x96xf32> to vector<64x96xf32>
    %mul3A_130 = arith.mulf %slice3A_125, %mul3A_129 : vector<64x96xf32>
    %add3A_131 = arith.addf %add3A_124, %mul3A_130 : vector<64x96xf32>
    %slice3A_132 = vector.extract_strided_slice %dot_general3A_46 {offsets = [768, 0], sizes = [64, 96], strides = [1, 1]} : vector<1024x96xf32> to vector<64x96xf32>
    %get3A_133 = arith.constant 4 : index
    %get3A_134 = arith.constant 0 : index
    %get3A_135 = vector.load %arg7[%get3A_133, %get3A_134] : memref<8x96xf32, #tpu.memory_space<vmem>>, vector<1x96xf32>
    %mul3A_136 = vector.broadcast %get3A_135 : vector<1x96xf32> to vector<64x96xf32>
    %mul3A_137 = arith.mulf %slice3A_132, %mul3A_136 : vector<64x96xf32>
    %add3A_138 = arith.addf %add3A_131, %mul3A_137 : vector<64x96xf32>
    %slice3A_139 = vector.extract_strided_slice %dot_general3A_46 {offsets = [832, 0], sizes = [64, 96], strides = [1, 1]} : vector<1024x96xf32> to vector<64x96xf32>
    %get3A_140 = arith.constant 5 : index
    %get3A_141 = arith.constant 0 : index
    %get3A_142 = vector.load %arg7[%get3A_140, %get3A_141] : memref<8x96xf32, #tpu.memory_space<vmem>>, vector<1x96xf32>
    %mul3A_143 = vector.broadcast %get3A_142 : vector<1x96xf32> to vector<64x96xf32>
    %mul3A_144 = arith.mulf %slice3A_139, %mul3A_143 : vector<64x96xf32>
    %add3A_145 = arith.addf %add3A_138, %mul3A_144 : vector<64x96xf32>
    %slice3A_146 = vector.extract_strided_slice %dot_general3A_46 {offsets = [896, 0], sizes = [64, 96], strides = [1, 1]} : vector<1024x96xf32> to vector<64x96xf32>
    %get3A_147 = arith.constant 6 : index
    %get3A_148 = arith.constant 0 : index
    %get3A_149 = vector.load %arg7[%get3A_147, %get3A_148] : memref<8x96xf32, #tpu.memory_space<vmem>>, vector<1x96xf32>
    %mul3A_150 = vector.broadcast %get3A_149 : vector<1x96xf32> to vector<64x96xf32>
    %mul3A_151 = arith.mulf %slice3A_146, %mul3A_150 : vector<64x96xf32>
    %add3A_152 = arith.addf %add3A_145, %mul3A_151 : vector<64x96xf32>
    %slice3A_153 = vector.extract_strided_slice %dot_general3A_46 {offsets = [960, 0], sizes = [64, 96], strides = [1, 1]} : vector<1024x96xf32> to vector<64x96xf32>
    %get3A_154 = arith.constant 7 : index
    %get3A_155 = arith.constant 0 : index
    %get3A_156 = vector.load %arg7[%get3A_154, %get3A_155] : memref<8x96xf32, #tpu.memory_space<vmem>>, vector<1x96xf32>
    %mul3A_157 = vector.broadcast %get3A_156 : vector<1x96xf32> to vector<64x96xf32>
    %mul3A_158 = arith.mulf %slice3A_153, %mul3A_157 : vector<64x96xf32>
    %add3A_159 = arith.addf %add3A_152, %mul3A_158 : vector<64x96xf32>
    %reshape3A_160 = vector.shape_cast %add3A_159 : vector<64x96xf32> to vector<8x8x96xf32>
    %swap3A_161 = arith.constant 0 : index
    %swap3A_162 = arith.constant 8 : index
    %swap3A_163 = arith.constant 0 : index
    %swap3A_164 = vector.load %arg8[%swap3A_161, %swap3A_162, %swap3A_163] : memref<8x16x96xf32, #tpu.memory_space<vmem>>, vector<8x8x96xf32>
    tpu.vector_store %arg8[%swap3A_161, %swap3A_162, %swap3A_163], %reshape3A_160 {strides = array<i32>} : memref<8x16x96xf32, #tpu.memory_space<vmem>>, vector<8x8x96xf32>,
    return
  }
  func.func @transform_0(%arg0: i32, %arg1: i32) -> (i32, i32, i32) {
    %c0_i32 = arith.constant 0 : i32
    %c0_i32_0 = arith.constant 0 : i32
    return %arg0, %arg1, %c0_i32 : i32, i32, i32
  }
  func.func @transform_1(%arg0: i32, %arg1: i32) -> (i32, i32, i32) {
    %c0_i32 = arith.constant 0 : i32
    %c0_i32_0 = arith.constant 0 : i32
    return %arg0, %arg1, %c0_i32 : i32, i32, i32
  }
  func.func @transform_2(%arg0: i32, %arg1: i32) -> (i32, i32, i32) {
    %c0_i32 = arith.constant 0 : i32
    %c0_i32_0 = arith.constant 0 : i32
    return %arg0, %arg1, %c0_i32 : i32, i32, i32
  }
  func.func @transform_3(%arg0: i32, %arg1: i32) -> (i32, i32) {
    %c0_i32 = arith.constant 0 : i32
    %c0_i32_0 = arith.constant 0 : i32
    %c0_i32_1 = arith.constant 0 : i32
    return %c0_i32, %c0_i32_0 : i32, i32
  }
  func.func @transform_4(%arg0: i32, %arg1: i32) -> (i32, i32) {
    %c0_i32 = arith.constant 0 : i32
    %c0_i32_0 = arith.constant 0 : i32
    %c0_i32_1 = arith.constant 0 : i32
    return %c0_i32, %c0_i32_0 : i32, i32
  }
  func.func @transform_5(%arg0: i32, %arg1: i32) -> (i32, i32) {
    %c0_i32 = arith.constant 0 : i32
    %c0_i32_0 = arith.constant 0 : i32
    %c0_i32_1 = arith.constant 0 : i32
    return %c0_i32, %c0_i32_0 : i32, i32
  }
  func.func @transform_6(%arg0: i32, %arg1: i32) -> (i32, i32, i32) {
    %c0_i32 = arith.constant 0 : i32
    %c0_i32_0 = arith.constant 0 : i32
    return %arg0, %arg1, %c0_i32 : i32, i32, i32
  }
}

module attributes {stable_mosaic.version = 14 : i64} {
  func.func @_bra_attn_kernel(%arg0: i32, %arg1: memref<3136xi32, #tpu.memory_space<smem>>, %arg2: memref<8x8x96xf32, #tpu.memory_space<vmem>>, %arg3: memref<8x8x96xf32, #tpu.memory_space<vmem>>, %arg4: memref<8x8x96xf32, #tpu.memory_space<vmem>>, %arg5: memref<8x8x96xf32, #tpu.memory_space<vmem>>, %arg6: memref<8x8x96xf32, #tpu.memory_space<vmem>>, %arg7: memref<8x8x96xf32, #tpu.memory_space<vmem>>, %arg8: memref<8x8x96xf32, #tpu.memory_space<vmem>>, %arg9: memref<8x8x96xf32, #tpu.memory_space<vmem>>, %arg10: memref<8x8x96xf32, #tpu.memory_space<vmem>>, %arg11: memref<512x96xf32, #tpu.memory_space<vmem>>, %arg12: memref<8x96xf32, #tpu.memory_space<vmem>>, %arg13: memref<8x8x96xf32, #tpu.memory_space<vmem>>) attributes {dimension_semantics = [#tpu.dimension_semantics<arbitrary>], iteration_bounds = array<i64: 784>, scalar_prefetch = 1 : i64, scratch_operands = 0 : i64, tpu.core_type = #tpu.core_type<tc>, window_params = [{transform_indices = @transform_0, window_bounds = array<i64: 8, 8, 96>}, {transform_indices = @transform_1, window_bounds = array<i64: 8, 8, 96>}, {transform_indices = @transform_2, window_bounds = array<i64: 8, 8, 96>}, {transform_indices = @transform_3, window_bounds = array<i64: 8, 8, 96>}, {transform_indices = @transform_4, window_bounds = array<i64: 8, 8, 96>}, {transform_indices = @transform_5, window_bounds = array<i64: 8, 8, 96>}, {transform_indices = @transform_6, window_bounds = array<i64: 8, 8, 96>}, {transform_indices = @transform_7, window_bounds = array<i64: 8, 8, 96>}, {transform_indices = @transform_8, window_bounds = array<i64: 8, 8, 96>}, {pipeline_mode = #tpu.pipeline_mode<synchronous>, transform_indices = @transform_9, window_bounds = array<i64: 512, 96>}, {pipeline_mode = #tpu.pipeline_mode<synchronous>, transform_indices = @transform_10, window_bounds = array<i64: 8, 96>}, {transform_indices = @transform_11, window_bounds = array<i64: 8, 8, 96>}]} {
    %get3A = arith.constant 0 : index
    %get3A_0 = arith.constant 0 : index
    %get3A_1 = arith.constant 0 : index
    %get3A_2 = vector.load %arg2[%get3A, %get3A_0, %get3A_1] : memref<8x8x96xf32, #tpu.memory_space<vmem>>, vector<8x8x96xf32>
    %reshape3A = vector.shape_cast %get3A_2 : vector<8x8x96xf32> to vector<64x96xf32>
    %concatenate3A = tpu.concatenate %reshape3A, %reshape3A, %reshape3A, %reshape3A, %reshape3A, %reshape3A, %reshape3A, %reshape3A in 0 : vector<64x96xf32>, vector<64x96xf32>, vector<64x96xf32>, vector<64x96xf32>, vector<64x96xf32>, vector<64x96xf32>, vector<64x96xf32>, vector<64x96xf32> -> vector<512x96xf32>
    %get3A_3 = arith.constant 0 : index
    %get3A_4 = arith.constant 0 : index
    %get3A_5 = vector.load %arg11[%get3A_3, %get3A_4] : memref<512x96xf32, #tpu.memory_space<vmem>>, vector<512x96xf32>
    %mul3A = arith.mulf %concatenate3A, %get3A_5 : vector<512x96xf32>
    %get3A_6 = arith.constant 0 : index
    %get3A_7 = arith.constant 0 : index
    %get3A_8 = arith.constant 0 : index
    %get3A_9 = vector.load %arg3[%get3A_6, %get3A_7, %get3A_8] : memref<8x8x96xf32, #tpu.memory_space<vmem>>, vector<8x8x96xf32>
    %reshape3A_10 = vector.shape_cast %get3A_9 : vector<8x8x96xf32> to vector<64x96xf32>
    %get3A_11 = arith.constant 0 : index
    %get3A_12 = arith.constant 0 : index
    %get3A_13 = arith.constant 0 : index
    %get3A_14 = vector.load %arg4[%get3A_11, %get3A_12, %get3A_13] : memref<8x8x96xf32, #tpu.memory_space<vmem>>, vector<8x8x96xf32>
    %reshape3A_15 = vector.shape_cast %get3A_14 : vector<8x8x96xf32> to vector<64x96xf32>
    %get3A_16 = arith.constant 0 : index
    %get3A_17 = arith.constant 0 : index
    %get3A_18 = arith.constant 0 : index
    %get3A_19 = vector.load %arg5[%get3A_16, %get3A_17, %get3A_18] : memref<8x8x96xf32, #tpu.memory_space<vmem>>, vector<8x8x96xf32>
    %reshape3A_20 = vector.shape_cast %get3A_19 : vector<8x8x96xf32> to vector<64x96xf32>
    %get3A_21 = arith.constant 0 : index
    %get3A_22 = arith.constant 0 : index
    %get3A_23 = arith.constant 0 : index
    %get3A_24 = vector.load %arg6[%get3A_21, %get3A_22, %get3A_23] : memref<8x8x96xf32, #tpu.memory_space<vmem>>, vector<8x8x96xf32>
    %reshape3A_25 = vector.shape_cast %get3A_24 : vector<8x8x96xf32> to vector<64x96xf32>
    %concatenate3A_26 = tpu.concatenate %reshape3A_10, %reshape3A_15, %reshape3A_20, %reshape3A_25 in 0 : vector<64x96xf32>, vector<64x96xf32>, vector<64x96xf32>, vector<64x96xf32> -> vector<256x96xf32>
    %get3A_27 = arith.constant 0 : index
    %get3A_28 = arith.constant 0 : index
    %get3A_29 = arith.constant 0 : index
    %get3A_30 = vector.load %arg7[%get3A_27, %get3A_28, %get3A_29] : memref<8x8x96xf32, #tpu.memory_space<vmem>>, vector<8x8x96xf32>
    %reshape3A_31 = vector.shape_cast %get3A_30 : vector<8x8x96xf32> to vector<64x96xf32>
    %get3A_32 = arith.constant 0 : index
    %get3A_33 = arith.constant 0 : index
    %get3A_34 = arith.constant 0 : index
    %get3A_35 = vector.load %arg8[%get3A_32, %get3A_33, %get3A_34] : memref<8x8x96xf32, #tpu.memory_space<vmem>>, vector<8x8x96xf32>
    %reshape3A_36 = vector.shape_cast %get3A_35 : vector<8x8x96xf32> to vector<64x96xf32>
    %get3A_37 = arith.constant 0 : index
    %get3A_38 = arith.constant 0 : index
    %get3A_39 = arith.constant 0 : index
    %get3A_40 = vector.load %arg9[%get3A_37, %get3A_38, %get3A_39] : memref<8x8x96xf32, #tpu.memory_space<vmem>>, vector<8x8x96xf32>
    %reshape3A_41 = vector.shape_cast %get3A_40 : vector<8x8x96xf32> to vector<64x96xf32>
    %get3A_42 = arith.constant 0 : index
    %get3A_43 = arith.constant 0 : index
    %get3A_44 = arith.constant 0 : index
    %get3A_45 = vector.load %arg10[%get3A_42, %get3A_43, %get3A_44] : memref<8x8x96xf32, #tpu.memory_space<vmem>>, vector<8x8x96xf32>
    %reshape3A_46 = vector.shape_cast %get3A_45 : vector<8x8x96xf32> to vector<64x96xf32>
    %concatenate3A_47 = tpu.concatenate %reshape3A_31, %reshape3A_36, %reshape3A_41, %reshape3A_46 in 0 : vector<64x96xf32>, vector<64x96xf32>, vector<64x96xf32>, vector<64x96xf32> -> vector<256x96xf32>
    %dot_general3A = arith.constant dense<0.000000e+00> : vector<512x256xf32>
    %dot_general3A_48 = tpu.matmul %mul3A, %concatenate3A_26, %dot_general3A {dimension_numbers = #tpu.dot_dimension_numbers<[1], [1], [0], [0], [0, 0, 1, 0], [], []>, transpose_lhs_hint = false} : vector<512x96xf32>, vector<256x96xf32>, vector<512x256xf32> -> vector<512x256xf32>
    %reduce_max3A = arith.constant dense<0xFF800000> : vector<512xf32>
    %reduce_max3A_49 = vector.multi_reduction <maximumf>, %dot_general3A_48, %reduce_max3A [1] : vector<512x256xf32> to vector<512xf32>
    %broadcast_in_dim3A = vector.shape_cast %reduce_max3A_49 : vector<512xf32> to vector<512x1xf32>
    %sub3A = vector.broadcast %broadcast_in_dim3A : vector<512x1xf32> to vector<512x256xf32>
    %sub3A_50 = arith.subf %dot_general3A_48, %sub3A : vector<512x256xf32>
    %exp3A = math.exp %sub3A_50 : vector<512x256xf32>
    %reduce_sum3A = arith.constant dense<0.000000e+00> : vector<512xf32>
    %reduce_sum3A_51 = vector.multi_reduction <add>, %exp3A, %reduce_sum3A [1] : vector<512x256xf32> to vector<512xf32>
    %broadcast_in_dim3A_52 = vector.shape_cast %reduce_sum3A_51 : vector<512xf32> to vector<512x1xf32>
    %div3A = arith.constant 1.000000e+00 : f32
    %div3A_53 = vector.broadcast %div3A : f32 to vector<512x1xf32>
    %div3A_54 = arith.divf %div3A_53, %broadcast_in_dim3A_52 : vector<512x1xf32>
    %mul3A_55 = vector.broadcast %div3A_54 : vector<512x1xf32> to vector<512x256xf32>
    %mul3A_56 = arith.mulf %exp3A, %mul3A_55 : vector<512x256xf32>
    %dot_general3A_57 = arith.constant dense<0.000000e+00> : vector<512x96xf32>
    %dot_general3A_58 = tpu.matmul %mul3A_56, %concatenate3A_47, %dot_general3A_57 {dimension_numbers = #tpu.dot_dimension_numbers<[1], [0], [0], [1], [0, 0, 1, 1], [], []>, transpose_lhs_hint = false} : vector<512x256xf32>, vector<256x96xf32>, vector<512x96xf32> -> vector<512x96xf32>
    %slice3A = vector.extract_strided_slice %dot_general3A_58 {offsets = [0, 0], sizes = [64, 96], strides = [1, 1]} : vector<512x96xf32> to vector<64x96xf32>
    %get3A_59 = arith.constant 0 : index
    %get3A_60 = arith.constant 0 : index
    %get3A_61 = vector.load %arg12[%get3A_59, %get3A_60] : memref<8x96xf32, #tpu.memory_space<vmem>>, vector<1x96xf32>
    %mul3A_62 = vector.broadcast %get3A_61 : vector<1x96xf32> to vector<64x96xf32>
    %mul3A_63 = arith.mulf %slice3A, %mul3A_62 : vector<64x96xf32>
    %slice3A_64 = vector.extract_strided_slice %dot_general3A_58 {offsets = [64, 0], sizes = [64, 96], strides = [1, 1]} : vector<512x96xf32> to vector<64x96xf32>
    %get3A_65 = arith.constant 1 : index
    %get3A_66 = arith.constant 0 : index
    %get3A_67 = vector.load %arg12[%get3A_65, %get3A_66] : memref<8x96xf32, #tpu.memory_space<vmem>>, vector<1x96xf32>
    %mul3A_68 = vector.broadcast %get3A_67 : vector<1x96xf32> to vector<64x96xf32>
    %mul3A_69 = arith.mulf %slice3A_64, %mul3A_68 : vector<64x96xf32>
    %add3A = arith.addf %mul3A_63, %mul3A_69 : vector<64x96xf32>
    %slice3A_70 = vector.extract_strided_slice %dot_general3A_58 {offsets = [128, 0], sizes = [64, 96], strides = [1, 1]} : vector<512x96xf32> to vector<64x96xf32>
    %get3A_71 = arith.constant 2 : index
    %get3A_72 = arith.constant 0 : index
    %get3A_73 = vector.load %arg12[%get3A_71, %get3A_72] : memref<8x96xf32, #tpu.memory_space<vmem>>, vector<1x96xf32>
    %mul3A_74 = vector.broadcast %get3A_73 : vector<1x96xf32> to vector<64x96xf32>
    %mul3A_75 = arith.mulf %slice3A_70, %mul3A_74 : vector<64x96xf32>
    %add3A_76 = arith.addf %add3A, %mul3A_75 : vector<64x96xf32>
    %slice3A_77 = vector.extract_strided_slice %dot_general3A_58 {offsets = [192, 0], sizes = [64, 96], strides = [1, 1]} : vector<512x96xf32> to vector<64x96xf32>
    %get3A_78 = arith.constant 3 : index
    %get3A_79 = arith.constant 0 : index
    %get3A_80 = vector.load %arg12[%get3A_78, %get3A_79] : memref<8x96xf32, #tpu.memory_space<vmem>>, vector<1x96xf32>
    %mul3A_81 = vector.broadcast %get3A_80 : vector<1x96xf32> to vector<64x96xf32>
    %mul3A_82 = arith.mulf %slice3A_77, %mul3A_81 : vector<64x96xf32>
    %add3A_83 = arith.addf %add3A_76, %mul3A_82 : vector<64x96xf32>
    %slice3A_84 = vector.extract_strided_slice %dot_general3A_58 {offsets = [256, 0], sizes = [64, 96], strides = [1, 1]} : vector<512x96xf32> to vector<64x96xf32>
    %get3A_85 = arith.constant 4 : index
    %get3A_86 = arith.constant 0 : index
    %get3A_87 = vector.load %arg12[%get3A_85, %get3A_86] : memref<8x96xf32, #tpu.memory_space<vmem>>, vector<1x96xf32>
    %mul3A_88 = vector.broadcast %get3A_87 : vector<1x96xf32> to vector<64x96xf32>
    %mul3A_89 = arith.mulf %slice3A_84, %mul3A_88 : vector<64x96xf32>
    %add3A_90 = arith.addf %add3A_83, %mul3A_89 : vector<64x96xf32>
    %slice3A_91 = vector.extract_strided_slice %dot_general3A_58 {offsets = [320, 0], sizes = [64, 96], strides = [1, 1]} : vector<512x96xf32> to vector<64x96xf32>
    %get3A_92 = arith.constant 5 : index
    %get3A_93 = arith.constant 0 : index
    %get3A_94 = vector.load %arg12[%get3A_92, %get3A_93] : memref<8x96xf32, #tpu.memory_space<vmem>>, vector<1x96xf32>
    %mul3A_95 = vector.broadcast %get3A_94 : vector<1x96xf32> to vector<64x96xf32>
    %mul3A_96 = arith.mulf %slice3A_91, %mul3A_95 : vector<64x96xf32>
    %add3A_97 = arith.addf %add3A_90, %mul3A_96 : vector<64x96xf32>
    %slice3A_98 = vector.extract_strided_slice %dot_general3A_58 {offsets = [384, 0], sizes = [64, 96], strides = [1, 1]} : vector<512x96xf32> to vector<64x96xf32>
    %get3A_99 = arith.constant 6 : index
    %get3A_100 = arith.constant 0 : index
    %get3A_101 = vector.load %arg12[%get3A_99, %get3A_100] : memref<8x96xf32, #tpu.memory_space<vmem>>, vector<1x96xf32>
    %mul3A_102 = vector.broadcast %get3A_101 : vector<1x96xf32> to vector<64x96xf32>
    %mul3A_103 = arith.mulf %slice3A_98, %mul3A_102 : vector<64x96xf32>
    %add3A_104 = arith.addf %add3A_97, %mul3A_103 : vector<64x96xf32>
    %slice3A_105 = vector.extract_strided_slice %dot_general3A_58 {offsets = [448, 0], sizes = [64, 96], strides = [1, 1]} : vector<512x96xf32> to vector<64x96xf32>
    %get3A_106 = arith.constant 7 : index
    %get3A_107 = arith.constant 0 : index
    %get3A_108 = vector.load %arg12[%get3A_106, %get3A_107] : memref<8x96xf32, #tpu.memory_space<vmem>>, vector<1x96xf32>
    %mul3A_109 = vector.broadcast %get3A_108 : vector<1x96xf32> to vector<64x96xf32>
    %mul3A_110 = arith.mulf %slice3A_105, %mul3A_109 : vector<64x96xf32>
    %add3A_111 = arith.addf %add3A_104, %mul3A_110 : vector<64x96xf32>
    %reshape3A_112 = vector.shape_cast %add3A_111 : vector<64x96xf32> to vector<8x8x96xf32>
    %swap3A = arith.constant 0 : index
    %swap3A_113 = arith.constant 0 : index
    %swap3A_114 = arith.constant 0 : index
    %swap3A_115 = vector.load %arg13[%swap3A, %swap3A_113, %swap3A_114] : memref<8x8x96xf32, #tpu.memory_space<vmem>>, vector<8x8x96xf32>
    tpu.vector_store %arg13[%swap3A, %swap3A_113, %swap3A_114], %reshape3A_112 {strides = array<i32>} : memref<8x8x96xf32, #tpu.memory_space<vmem>>, vector<8x8x96xf32>,
    return
  }
  func.func @transform_0(%arg0: i32, %arg1: memref<3136xi32, #tpu.memory_space<smem>>) -> (i32, i32, i32) {
    %jit3A = arith.constant 28 : i32
    %div3A = arith.divsi %arg0, %jit3A : i32
    %sign3A = arith.constant 0 : i32
    %sign3A_0 = arith.cmpi sgt, %arg0, %sign3A : i32
    %sign3A_1 = arith.extui %sign3A_0 : i1 to i32
    %sign3A_2 = arith.constant 0 : i32
    %sign3A_3 = arith.cmpi slt, %arg0, %sign3A_2 : i32
    %sign3A_4 = arith.extui %sign3A_3 : i1 to i32
    %sign3A_5 = arith.subi %sign3A_1, %sign3A_4 : i32
    %sign3A_6 = arith.constant 0 : i32
    %sign3A_7 = arith.cmpi sgt, %jit3A, %sign3A_6 : i32
    %sign3A_8 = arith.extui %sign3A_7 : i1 to i32
    %sign3A_9 = arith.constant 0 : i32
    %sign3A_10 = arith.cmpi slt, %jit3A, %sign3A_9 : i32
    %sign3A_11 = arith.extui %sign3A_10 : i1 to i32
    %sign3A_12 = arith.subi %sign3A_8, %sign3A_11 : i32
    %ne3A = arith.cmpi ne, %sign3A_5, %sign3A_12 : i32
    %rem3A = arith.remsi %arg0, %jit3A : i32
    %ne3A_13 = arith.constant 0 : i32
    %ne3A_14 = arith.cmpi ne, %rem3A, %ne3A_13 : i32
    %and3A = arith.andi %ne3A, %ne3A_14 : i1
    %sub3A = arith.constant 1 : i32
    %sub3A_15 = arith.subi %div3A, %sub3A : i32
    %select_n3A = arith.select %and3A, %sub3A_15, %div3A : i32
    %jit3A_16 = arith.constant 28 : i32
    %eq3A = arith.constant 0 : i32
    %eq3A_17 = arith.cmpi eq, %jit3A_16, %eq3A : i32
    %jit3A_18 = arith.constant 1 : i32
    %select_n3A_19 = arith.select %eq3A_17, %jit3A_18, %jit3A_16 : i32
    %rem3A_20 = arith.remsi %arg0, %select_n3A_19 : i32
    %ne3A_21 = arith.constant 0 : i32
    %ne3A_22 = arith.cmpi ne, %rem3A_20, %ne3A_21 : i32
    %lt3A = arith.constant 0 : i32
    %lt3A_23 = arith.cmpi slt, %rem3A_20, %lt3A : i32
    %lt3A_24 = arith.constant 0 : i32
    %lt3A_25 = arith.cmpi slt, %select_n3A_19, %lt3A_24 : i32
    %ne3A_26 = arith.xori %lt3A_23, %lt3A_25 : i1
    %and3A_27 = arith.andi %ne3A_26, %ne3A_22 : i1
    %add3A = arith.addi %rem3A_20, %select_n3A_19 : i32
    %select_n3A_28 = arith.select %and3A_27, %add3A, %rem3A_20 : i32
    %c0_i32 = arith.constant 0 : i32
    %c0_i32_29 = arith.constant 0 : i32
    return %select_n3A, %select_n3A_28, %c0_i32 : i32, i32, i32
  }
  func.func @transform_1(%arg0: i32, %arg1: memref<3136xi32, #tpu.memory_space<smem>>) -> (i32, i32, i32) {
    %mul3A = arith.constant 4 : i32
    %mul3A_0 = arith.muli %arg0, %mul3A : i32
    %add3A = arith.constant 0 : i32
    %add3A_1 = arith.addi %mul3A_0, %add3A : i32
    %get3A = arith.index_cast %add3A_1 : i32 to index
    %get3A_2 = memref.load %arg1[%get3A] : memref<3136xi32, #tpu.memory_space<smem>>
    %jit3A = arith.constant 28 : i32
    %div3A = arith.divsi %get3A_2, %jit3A : i32
    %sign3A = arith.constant 0 : i32
    %sign3A_3 = arith.cmpi sgt, %get3A_2, %sign3A : i32
    %sign3A_4 = arith.extui %sign3A_3 : i1 to i32
    %sign3A_5 = arith.constant 0 : i32
    %sign3A_6 = arith.cmpi slt, %get3A_2, %sign3A_5 : i32
    %sign3A_7 = arith.extui %sign3A_6 : i1 to i32
    %sign3A_8 = arith.subi %sign3A_4, %sign3A_7 : i32
    %sign3A_9 = arith.constant 0 : i32
    %sign3A_10 = arith.cmpi sgt, %jit3A, %sign3A_9 : i32
    %sign3A_11 = arith.extui %sign3A_10 : i1 to i32
    %sign3A_12 = arith.constant 0 : i32
    %sign3A_13 = arith.cmpi slt, %jit3A, %sign3A_12 : i32
    %sign3A_14 = arith.extui %sign3A_13 : i1 to i32
    %sign3A_15 = arith.subi %sign3A_11, %sign3A_14 : i32
    %ne3A = arith.cmpi ne, %sign3A_8, %sign3A_15 : i32
    %rem3A = arith.remsi %get3A_2, %jit3A : i32
    %ne3A_16 = arith.constant 0 : i32
    %ne3A_17 = arith.cmpi ne, %rem3A, %ne3A_16 : i32
    %and3A = arith.andi %ne3A, %ne3A_17 : i1
    %sub3A = arith.constant 1 : i32
    %sub3A_18 = arith.subi %div3A, %sub3A : i32
    %select_n3A = arith.select %and3A, %sub3A_18, %div3A : i32
    %jit3A_19 = arith.constant 28 : i32
    %eq3A = arith.constant 0 : i32
    %eq3A_20 = arith.cmpi eq, %jit3A_19, %eq3A : i32
    %jit3A_21 = arith.constant 1 : i32
    %select_n3A_22 = arith.select %eq3A_20, %jit3A_21, %jit3A_19 : i32
    %rem3A_23 = arith.remsi %get3A_2, %select_n3A_22 : i32
    %ne3A_24 = arith.constant 0 : i32
    %ne3A_25 = arith.cmpi ne, %rem3A_23, %ne3A_24 : i32
    %lt3A = arith.constant 0 : i32
    %lt3A_26 = arith.cmpi slt, %rem3A_23, %lt3A : i32
    %lt3A_27 = arith.constant 0 : i32
    %lt3A_28 = arith.cmpi slt, %select_n3A_22, %lt3A_27 : i32
    %ne3A_29 = arith.xori %lt3A_26, %lt3A_28 : i1
    %and3A_30 = arith.andi %ne3A_29, %ne3A_25 : i1
    %add3A_31 = arith.addi %rem3A_23, %select_n3A_22 : i32
    %select_n3A_32 = arith.select %and3A_30, %add3A_31, %rem3A_23 : i32
    %c0_i32 = arith.constant 0 : i32
    %c0_i32_33 = arith.constant 0 : i32
    return %select_n3A, %select_n3A_32, %c0_i32 : i32, i32, i32
  }
  func.func @transform_2(%arg0: i32, %arg1: memref<3136xi32, #tpu.memory_space<smem>>) -> (i32, i32, i32) {
    %mul3A = arith.constant 4 : i32
    %mul3A_0 = arith.muli %arg0, %mul3A : i32
    %add3A = arith.constant 1 : i32
    %add3A_1 = arith.addi %mul3A_0, %add3A : i32
    %get3A = arith.index_cast %add3A_1 : i32 to index
    %get3A_2 = memref.load %arg1[%get3A] : memref<3136xi32, #tpu.memory_space<smem>>
    %jit3A = arith.constant 28 : i32
    %div3A = arith.divsi %get3A_2, %jit3A : i32
    %sign3A = arith.constant 0 : i32
    %sign3A_3 = arith.cmpi sgt, %get3A_2, %sign3A : i32
    %sign3A_4 = arith.extui %sign3A_3 : i1 to i32
    %sign3A_5 = arith.constant 0 : i32
    %sign3A_6 = arith.cmpi slt, %get3A_2, %sign3A_5 : i32
    %sign3A_7 = arith.extui %sign3A_6 : i1 to i32
    %sign3A_8 = arith.subi %sign3A_4, %sign3A_7 : i32
    %sign3A_9 = arith.constant 0 : i32
    %sign3A_10 = arith.cmpi sgt, %jit3A, %sign3A_9 : i32
    %sign3A_11 = arith.extui %sign3A_10 : i1 to i32
    %sign3A_12 = arith.constant 0 : i32
    %sign3A_13 = arith.cmpi slt, %jit3A, %sign3A_12 : i32
    %sign3A_14 = arith.extui %sign3A_13 : i1 to i32
    %sign3A_15 = arith.subi %sign3A_11, %sign3A_14 : i32
    %ne3A = arith.cmpi ne, %sign3A_8, %sign3A_15 : i32
    %rem3A = arith.remsi %get3A_2, %jit3A : i32
    %ne3A_16 = arith.constant 0 : i32
    %ne3A_17 = arith.cmpi ne, %rem3A, %ne3A_16 : i32
    %and3A = arith.andi %ne3A, %ne3A_17 : i1
    %sub3A = arith.constant 1 : i32
    %sub3A_18 = arith.subi %div3A, %sub3A : i32
    %select_n3A = arith.select %and3A, %sub3A_18, %div3A : i32
    %jit3A_19 = arith.constant 28 : i32
    %eq3A = arith.constant 0 : i32
    %eq3A_20 = arith.cmpi eq, %jit3A_19, %eq3A : i32
    %jit3A_21 = arith.constant 1 : i32
    %select_n3A_22 = arith.select %eq3A_20, %jit3A_21, %jit3A_19 : i32
    %rem3A_23 = arith.remsi %get3A_2, %select_n3A_22 : i32
    %ne3A_24 = arith.constant 0 : i32
    %ne3A_25 = arith.cmpi ne, %rem3A_23, %ne3A_24 : i32
    %lt3A = arith.constant 0 : i32
    %lt3A_26 = arith.cmpi slt, %rem3A_23, %lt3A : i32
    %lt3A_27 = arith.constant 0 : i32
    %lt3A_28 = arith.cmpi slt, %select_n3A_22, %lt3A_27 : i32
    %ne3A_29 = arith.xori %lt3A_26, %lt3A_28 : i1
    %and3A_30 = arith.andi %ne3A_29, %ne3A_25 : i1
    %add3A_31 = arith.addi %rem3A_23, %select_n3A_22 : i32
    %select_n3A_32 = arith.select %and3A_30, %add3A_31, %rem3A_23 : i32
    %c0_i32 = arith.constant 0 : i32
    %c0_i32_33 = arith.constant 0 : i32
    return %select_n3A, %select_n3A_32, %c0_i32 : i32, i32, i32
  }
  func.func @transform_3(%arg0: i32, %arg1: memref<3136xi32, #tpu.memory_space<smem>>) -> (i32, i32, i32) {
    %mul3A = arith.constant 4 : i32
    %mul3A_0 = arith.muli %arg0, %mul3A : i32
    %add3A = arith.constant 2 : i32
    %add3A_1 = arith.addi %mul3A_0, %add3A : i32
    %get3A = arith.index_cast %add3A_1 : i32 to index
    %get3A_2 = memref.load %arg1[%get3A] : memref<3136xi32, #tpu.memory_space<smem>>
    %jit3A = arith.constant 28 : i32
    %div3A = arith.divsi %get3A_2, %jit3A : i32
    %sign3A = arith.constant 0 : i32
    %sign3A_3 = arith.cmpi sgt, %get3A_2, %sign3A : i32
    %sign3A_4 = arith.extui %sign3A_3 : i1 to i32
    %sign3A_5 = arith.constant 0 : i32
    %sign3A_6 = arith.cmpi slt, %get3A_2, %sign3A_5 : i32
    %sign3A_7 = arith.extui %sign3A_6 : i1 to i32
    %sign3A_8 = arith.subi %sign3A_4, %sign3A_7 : i32
    %sign3A_9 = arith.constant 0 : i32
    %sign3A_10 = arith.cmpi sgt, %jit3A, %sign3A_9 : i32
    %sign3A_11 = arith.extui %sign3A_10 : i1 to i32
    %sign3A_12 = arith.constant 0 : i32
    %sign3A_13 = arith.cmpi slt, %jit3A, %sign3A_12 : i32
    %sign3A_14 = arith.extui %sign3A_13 : i1 to i32
    %sign3A_15 = arith.subi %sign3A_11, %sign3A_14 : i32
    %ne3A = arith.cmpi ne, %sign3A_8, %sign3A_15 : i32
    %rem3A = arith.remsi %get3A_2, %jit3A : i32
    %ne3A_16 = arith.constant 0 : i32
    %ne3A_17 = arith.cmpi ne, %rem3A, %ne3A_16 : i32
    %and3A = arith.andi %ne3A, %ne3A_17 : i1
    %sub3A = arith.constant 1 : i32
    %sub3A_18 = arith.subi %div3A, %sub3A : i32
    %select_n3A = arith.select %and3A, %sub3A_18, %div3A : i32
    %jit3A_19 = arith.constant 28 : i32
    %eq3A = arith.constant 0 : i32
    %eq3A_20 = arith.cmpi eq, %jit3A_19, %eq3A : i32
    %jit3A_21 = arith.constant 1 : i32
    %select_n3A_22 = arith.select %eq3A_20, %jit3A_21, %jit3A_19 : i32
    %rem3A_23 = arith.remsi %get3A_2, %select_n3A_22 : i32
    %ne3A_24 = arith.constant 0 : i32
    %ne3A_25 = arith.cmpi ne, %rem3A_23, %ne3A_24 : i32
    %lt3A = arith.constant 0 : i32
    %lt3A_26 = arith.cmpi slt, %rem3A_23, %lt3A : i32
    %lt3A_27 = arith.constant 0 : i32
    %lt3A_28 = arith.cmpi slt, %select_n3A_22, %lt3A_27 : i32
    %ne3A_29 = arith.xori %lt3A_26, %lt3A_28 : i1
    %and3A_30 = arith.andi %ne3A_29, %ne3A_25 : i1
    %add3A_31 = arith.addi %rem3A_23, %select_n3A_22 : i32
    %select_n3A_32 = arith.select %and3A_30, %add3A_31, %rem3A_23 : i32
    %c0_i32 = arith.constant 0 : i32
    %c0_i32_33 = arith.constant 0 : i32
    return %select_n3A, %select_n3A_32, %c0_i32 : i32, i32, i32
  }
  func.func @transform_4(%arg0: i32, %arg1: memref<3136xi32, #tpu.memory_space<smem>>) -> (i32, i32, i32) {
    %mul3A = arith.constant 4 : i32
    %mul3A_0 = arith.muli %arg0, %mul3A : i32
    %add3A = arith.constant 3 : i32
    %add3A_1 = arith.addi %mul3A_0, %add3A : i32
    %get3A = arith.index_cast %add3A_1 : i32 to index
    %get3A_2 = memref.load %arg1[%get3A] : memref<3136xi32, #tpu.memory_space<smem>>
    %jit3A = arith.constant 28 : i32
    %div3A = arith.divsi %get3A_2, %jit3A : i32
    %sign3A = arith.constant 0 : i32
    %sign3A_3 = arith.cmpi sgt, %get3A_2, %sign3A : i32
    %sign3A_4 = arith.extui %sign3A_3 : i1 to i32
    %sign3A_5 = arith.constant 0 : i32
    %sign3A_6 = arith.cmpi slt, %get3A_2, %sign3A_5 : i32
    %sign3A_7 = arith.extui %sign3A_6 : i1 to i32
    %sign3A_8 = arith.subi %sign3A_4, %sign3A_7 : i32
    %sign3A_9 = arith.constant 0 : i32
    %sign3A_10 = arith.cmpi sgt, %jit3A, %sign3A_9 : i32
    %sign3A_11 = arith.extui %sign3A_10 : i1 to i32
    %sign3A_12 = arith.constant 0 : i32
    %sign3A_13 = arith.cmpi slt, %jit3A, %sign3A_12 : i32
    %sign3A_14 = arith.extui %sign3A_13 : i1 to i32
    %sign3A_15 = arith.subi %sign3A_11, %sign3A_14 : i32
    %ne3A = arith.cmpi ne, %sign3A_8, %sign3A_15 : i32
    %rem3A = arith.remsi %get3A_2, %jit3A : i32
    %ne3A_16 = arith.constant 0 : i32
    %ne3A_17 = arith.cmpi ne, %rem3A, %ne3A_16 : i32
    %and3A = arith.andi %ne3A, %ne3A_17 : i1
    %sub3A = arith.constant 1 : i32
    %sub3A_18 = arith.subi %div3A, %sub3A : i32
    %select_n3A = arith.select %and3A, %sub3A_18, %div3A : i32
    %jit3A_19 = arith.constant 28 : i32
    %eq3A = arith.constant 0 : i32
    %eq3A_20 = arith.cmpi eq, %jit3A_19, %eq3A : i32
    %jit3A_21 = arith.constant 1 : i32
    %select_n3A_22 = arith.select %eq3A_20, %jit3A_21, %jit3A_19 : i32
    %rem3A_23 = arith.remsi %get3A_2, %select_n3A_22 : i32
    %ne3A_24 = arith.constant 0 : i32
    %ne3A_25 = arith.cmpi ne, %rem3A_23, %ne3A_24 : i32
    %lt3A = arith.constant 0 : i32
    %lt3A_26 = arith.cmpi slt, %rem3A_23, %lt3A : i32
    %lt3A_27 = arith.constant 0 : i32
    %lt3A_28 = arith.cmpi slt, %select_n3A_22, %lt3A_27 : i32
    %ne3A_29 = arith.xori %lt3A_26, %lt3A_28 : i1
    %and3A_30 = arith.andi %ne3A_29, %ne3A_25 : i1
    %add3A_31 = arith.addi %rem3A_23, %select_n3A_22 : i32
    %select_n3A_32 = arith.select %and3A_30, %add3A_31, %rem3A_23 : i32
    %c0_i32 = arith.constant 0 : i32
    %c0_i32_33 = arith.constant 0 : i32
    return %select_n3A, %select_n3A_32, %c0_i32 : i32, i32, i32
  }
  func.func @transform_5(%arg0: i32, %arg1: memref<3136xi32, #tpu.memory_space<smem>>) -> (i32, i32, i32) {
    %mul3A = arith.constant 4 : i32
    %mul3A_0 = arith.muli %arg0, %mul3A : i32
    %add3A = arith.constant 0 : i32
    %add3A_1 = arith.addi %mul3A_0, %add3A : i32
    %get3A = arith.index_cast %add3A_1 : i32 to index
    %get3A_2 = memref.load %arg1[%get3A] : memref<3136xi32, #tpu.memory_space<smem>>
    %jit3A = arith.constant 28 : i32
    %div3A = arith.divsi %get3A_2, %jit3A : i32
    %sign3A = arith.constant 0 : i32
    %sign3A_3 = arith.cmpi sgt, %get3A_2, %sign3A : i32
    %sign3A_4 = arith.extui %sign3A_3 : i1 to i32
    %sign3A_5 = arith.constant 0 : i32
    %sign3A_6 = arith.cmpi slt, %get3A_2, %sign3A_5 : i32
    %sign3A_7 = arith.extui %sign3A_6 : i1 to i32
    %sign3A_8 = arith.subi %sign3A_4, %sign3A_7 : i32
    %sign3A_9 = arith.constant 0 : i32
    %sign3A_10 = arith.cmpi sgt, %jit3A, %sign3A_9 : i32
    %sign3A_11 = arith.extui %sign3A_10 : i1 to i32
    %sign3A_12 = arith.constant 0 : i32
    %sign3A_13 = arith.cmpi slt, %jit3A, %sign3A_12 : i32
    %sign3A_14 = arith.extui %sign3A_13 : i1 to i32
    %sign3A_15 = arith.subi %sign3A_11, %sign3A_14 : i32
    %ne3A = arith.cmpi ne, %sign3A_8, %sign3A_15 : i32
    %rem3A = arith.remsi %get3A_2, %jit3A : i32
    %ne3A_16 = arith.constant 0 : i32
    %ne3A_17 = arith.cmpi ne, %rem3A, %ne3A_16 : i32
    %and3A = arith.andi %ne3A, %ne3A_17 : i1
    %sub3A = arith.constant 1 : i32
    %sub3A_18 = arith.subi %div3A, %sub3A : i32
    %select_n3A = arith.select %and3A, %sub3A_18, %div3A : i32
    %jit3A_19 = arith.constant 28 : i32
    %eq3A = arith.constant 0 : i32
    %eq3A_20 = arith.cmpi eq, %jit3A_19, %eq3A : i32
    %jit3A_21 = arith.constant 1 : i32
    %select_n3A_22 = arith.select %eq3A_20, %jit3A_21, %jit3A_19 : i32
    %rem3A_23 = arith.remsi %get3A_2, %select_n3A_22 : i32
    %ne3A_24 = arith.constant 0 : i32
    %ne3A_25 = arith.cmpi ne, %rem3A_23, %ne3A_24 : i32
    %lt3A = arith.constant 0 : i32
    %lt3A_26 = arith.cmpi slt, %rem3A_23, %lt3A : i32
    %lt3A_27 = arith.constant 0 : i32
    %lt3A_28 = arith.cmpi slt, %select_n3A_22, %lt3A_27 : i32
    %ne3A_29 = arith.xori %lt3A_26, %lt3A_28 : i1
    %and3A_30 = arith.andi %ne3A_29, %ne3A_25 : i1
    %add3A_31 = arith.addi %rem3A_23, %select_n3A_22 : i32
    %select_n3A_32 = arith.select %and3A_30, %add3A_31, %rem3A_23 : i32
    %c0_i32 = arith.constant 0 : i32
    %c0_i32_33 = arith.constant 0 : i32
    return %select_n3A, %select_n3A_32, %c0_i32 : i32, i32, i32
  }
  func.func @transform_6(%arg0: i32, %arg1: memref<3136xi32, #tpu.memory_space<smem>>) -> (i32, i32, i32) {
    %mul3A = arith.constant 4 : i32
    %mul3A_0 = arith.muli %arg0, %mul3A : i32
    %add3A = arith.constant 1 : i32
    %add3A_1 = arith.addi %mul3A_0, %add3A : i32
    %get3A = arith.index_cast %add3A_1 : i32 to index
    %get3A_2 = memref.load %arg1[%get3A] : memref<3136xi32, #tpu.memory_space<smem>>
    %jit3A = arith.constant 28 : i32
    %div3A = arith.divsi %get3A_2, %jit3A : i32
    %sign3A = arith.constant 0 : i32
    %sign3A_3 = arith.cmpi sgt, %get3A_2, %sign3A : i32
    %sign3A_4 = arith.extui %sign3A_3 : i1 to i32
    %sign3A_5 = arith.constant 0 : i32
    %sign3A_6 = arith.cmpi slt, %get3A_2, %sign3A_5 : i32
    %sign3A_7 = arith.extui %sign3A_6 : i1 to i32
    %sign3A_8 = arith.subi %sign3A_4, %sign3A_7 : i32
    %sign3A_9 = arith.constant 0 : i32
    %sign3A_10 = arith.cmpi sgt, %jit3A, %sign3A_9 : i32
    %sign3A_11 = arith.extui %sign3A_10 : i1 to i32
    %sign3A_12 = arith.constant 0 : i32
    %sign3A_13 = arith.cmpi slt, %jit3A, %sign3A_12 : i32
    %sign3A_14 = arith.extui %sign3A_13 : i1 to i32
    %sign3A_15 = arith.subi %sign3A_11, %sign3A_14 : i32
    %ne3A = arith.cmpi ne, %sign3A_8, %sign3A_15 : i32
    %rem3A = arith.remsi %get3A_2, %jit3A : i32
    %ne3A_16 = arith.constant 0 : i32
    %ne3A_17 = arith.cmpi ne, %rem3A, %ne3A_16 : i32
    %and3A = arith.andi %ne3A, %ne3A_17 : i1
    %sub3A = arith.constant 1 : i32
    %sub3A_18 = arith.subi %div3A, %sub3A : i32
    %select_n3A = arith.select %and3A, %sub3A_18, %div3A : i32
    %jit3A_19 = arith.constant 28 : i32
    %eq3A = arith.constant 0 : i32
    %eq3A_20 = arith.cmpi eq, %jit3A_19, %eq3A : i32
    %jit3A_21 = arith.constant 1 : i32
    %select_n3A_22 = arith.select %eq3A_20, %jit3A_21, %jit3A_19 : i32
    %rem3A_23 = arith.remsi %get3A_2, %select_n3A_22 : i32
    %ne3A_24 = arith.constant 0 : i32
    %ne3A_25 = arith.cmpi ne, %rem3A_23, %ne3A_24 : i32
    %lt3A = arith.constant 0 : i32
    %lt3A_26 = arith.cmpi slt, %rem3A_23, %lt3A : i32
    %lt3A_27 = arith.constant 0 : i32
    %lt3A_28 = arith.cmpi slt, %select_n3A_22, %lt3A_27 : i32
    %ne3A_29 = arith.xori %lt3A_26, %lt3A_28 : i1
    %and3A_30 = arith.andi %ne3A_29, %ne3A_25 : i1
    %add3A_31 = arith.addi %rem3A_23, %select_n3A_22 : i32
    %select_n3A_32 = arith.select %and3A_30, %add3A_31, %rem3A_23 : i32
    %c0_i32 = arith.constant 0 : i32
    %c0_i32_33 = arith.constant 0 : i32
    return %select_n3A, %select_n3A_32, %c0_i32 : i32, i32, i32
  }
  func.func @transform_7(%arg0: i32, %arg1: memref<3136xi32, #tpu.memory_space<smem>>) -> (i32, i32, i32) {
    %mul3A = arith.constant 4 : i32
    %mul3A_0 = arith.muli %arg0, %mul3A : i32
    %add3A = arith.constant 2 : i32
    %add3A_1 = arith.addi %mul3A_0, %add3A : i32
    %get3A = arith.index_cast %add3A_1 : i32 to index
    %get3A_2 = memref.load %arg1[%get3A] : memref<3136xi32, #tpu.memory_space<smem>>
    %jit3A = arith.constant 28 : i32
    %div3A = arith.divsi %get3A_2, %jit3A : i32
    %sign3A = arith.constant 0 : i32
    %sign3A_3 = arith.cmpi sgt, %get3A_2, %sign3A : i32
    %sign3A_4 = arith.extui %sign3A_3 : i1 to i32
    %sign3A_5 = arith.constant 0 : i32
    %sign3A_6 = arith.cmpi slt, %get3A_2, %sign3A_5 : i32
    %sign3A_7 = arith.extui %sign3A_6 : i1 to i32
    %sign3A_8 = arith.subi %sign3A_4, %sign3A_7 : i32
    %sign3A_9 = arith.constant 0 : i32
    %sign3A_10 = arith.cmpi sgt, %jit3A, %sign3A_9 : i32
    %sign3A_11 = arith.extui %sign3A_10 : i1 to i32
    %sign3A_12 = arith.constant 0 : i32
    %sign3A_13 = arith.cmpi slt, %jit3A, %sign3A_12 : i32
    %sign3A_14 = arith.extui %sign3A_13 : i1 to i32
    %sign3A_15 = arith.subi %sign3A_11, %sign3A_14 : i32
    %ne3A = arith.cmpi ne, %sign3A_8, %sign3A_15 : i32
    %rem3A = arith.remsi %get3A_2, %jit3A : i32
    %ne3A_16 = arith.constant 0 : i32
    %ne3A_17 = arith.cmpi ne, %rem3A, %ne3A_16 : i32
    %and3A = arith.andi %ne3A, %ne3A_17 : i1
    %sub3A = arith.constant 1 : i32
    %sub3A_18 = arith.subi %div3A, %sub3A : i32
    %select_n3A = arith.select %and3A, %sub3A_18, %div3A : i32
    %jit3A_19 = arith.constant 28 : i32
    %eq3A = arith.constant 0 : i32
    %eq3A_20 = arith.cmpi eq, %jit3A_19, %eq3A : i32
    %jit3A_21 = arith.constant 1 : i32
    %select_n3A_22 = arith.select %eq3A_20, %jit3A_21, %jit3A_19 : i32
    %rem3A_23 = arith.remsi %get3A_2, %select_n3A_22 : i32
    %ne3A_24 = arith.constant 0 : i32
    %ne3A_25 = arith.cmpi ne, %rem3A_23, %ne3A_24 : i32
    %lt3A = arith.constant 0 : i32
    %lt3A_26 = arith.cmpi slt, %rem3A_23, %lt3A : i32
    %lt3A_27 = arith.constant 0 : i32
    %lt3A_28 = arith.cmpi slt, %select_n3A_22, %lt3A_27 : i32
    %ne3A_29 = arith.xori %lt3A_26, %lt3A_28 : i1
    %and3A_30 = arith.andi %ne3A_29, %ne3A_25 : i1
    %add3A_31 = arith.addi %rem3A_23, %select_n3A_22 : i32
    %select_n3A_32 = arith.select %and3A_30, %add3A_31, %rem3A_23 : i32
    %c0_i32 = arith.constant 0 : i32
    %c0_i32_33 = arith.constant 0 : i32
    return %select_n3A, %select_n3A_32, %c0_i32 : i32, i32, i32
  }
  func.func @transform_8(%arg0: i32, %arg1: memref<3136xi32, #tpu.memory_space<smem>>) -> (i32, i32, i32) {
    %mul3A = arith.constant 4 : i32
    %mul3A_0 = arith.muli %arg0, %mul3A : i32
    %add3A = arith.constant 3 : i32
    %add3A_1 = arith.addi %mul3A_0, %add3A : i32
    %get3A = arith.index_cast %add3A_1 : i32 to index
    %get3A_2 = memref.load %arg1[%get3A] : memref<3136xi32, #tpu.memory_space<smem>>
    %jit3A = arith.constant 28 : i32
    %div3A = arith.divsi %get3A_2, %jit3A : i32
    %sign3A = arith.constant 0 : i32
    %sign3A_3 = arith.cmpi sgt, %get3A_2, %sign3A : i32
    %sign3A_4 = arith.extui %sign3A_3 : i1 to i32
    %sign3A_5 = arith.constant 0 : i32
    %sign3A_6 = arith.cmpi slt, %get3A_2, %sign3A_5 : i32
    %sign3A_7 = arith.extui %sign3A_6 : i1 to i32
    %sign3A_8 = arith.subi %sign3A_4, %sign3A_7 : i32
    %sign3A_9 = arith.constant 0 : i32
    %sign3A_10 = arith.cmpi sgt, %jit3A, %sign3A_9 : i32
    %sign3A_11 = arith.extui %sign3A_10 : i1 to i32
    %sign3A_12 = arith.constant 0 : i32
    %sign3A_13 = arith.cmpi slt, %jit3A, %sign3A_12 : i32
    %sign3A_14 = arith.extui %sign3A_13 : i1 to i32
    %sign3A_15 = arith.subi %sign3A_11, %sign3A_14 : i32
    %ne3A = arith.cmpi ne, %sign3A_8, %sign3A_15 : i32
    %rem3A = arith.remsi %get3A_2, %jit3A : i32
    %ne3A_16 = arith.constant 0 : i32
    %ne3A_17 = arith.cmpi ne, %rem3A, %ne3A_16 : i32
    %and3A = arith.andi %ne3A, %ne3A_17 : i1
    %sub3A = arith.constant 1 : i32
    %sub3A_18 = arith.subi %div3A, %sub3A : i32
    %select_n3A = arith.select %and3A, %sub3A_18, %div3A : i32
    %jit3A_19 = arith.constant 28 : i32
    %eq3A = arith.constant 0 : i32
    %eq3A_20 = arith.cmpi eq, %jit3A_19, %eq3A : i32
    %jit3A_21 = arith.constant 1 : i32
    %select_n3A_22 = arith.select %eq3A_20, %jit3A_21, %jit3A_19 : i32
    %rem3A_23 = arith.remsi %get3A_2, %select_n3A_22 : i32
    %ne3A_24 = arith.constant 0 : i32
    %ne3A_25 = arith.cmpi ne, %rem3A_23, %ne3A_24 : i32
    %lt3A = arith.constant 0 : i32
    %lt3A_26 = arith.cmpi slt, %rem3A_23, %lt3A : i32
    %lt3A_27 = arith.constant 0 : i32
    %lt3A_28 = arith.cmpi slt, %select_n3A_22, %lt3A_27 : i32
    %ne3A_29 = arith.xori %lt3A_26, %lt3A_28 : i1
    %and3A_30 = arith.andi %ne3A_29, %ne3A_25 : i1
    %add3A_31 = arith.addi %rem3A_23, %select_n3A_22 : i32
    %select_n3A_32 = arith.select %and3A_30, %add3A_31, %rem3A_23 : i32
    %c0_i32 = arith.constant 0 : i32
    %c0_i32_33 = arith.constant 0 : i32
    return %select_n3A, %select_n3A_32, %c0_i32 : i32, i32, i32
  }
  func.func @transform_9(%arg0: i32, %arg1: memref<3136xi32, #tpu.memory_space<smem>>) -> (i32, i32) {
    %c0_i32 = arith.constant 0 : i32
    %c0_i32_0 = arith.constant 0 : i32
    %c0_i32_1 = arith.constant 0 : i32
    return %c0_i32, %c0_i32_0 : i32, i32
  }
  func.func @transform_10(%arg0: i32, %arg1: memref<3136xi32, #tpu.memory_space<smem>>) -> (i32, i32) {
    %c0_i32 = arith.constant 0 : i32
    %c0_i32_0 = arith.constant 0 : i32
    %c0_i32_1 = arith.constant 0 : i32
    return %c0_i32, %c0_i32_0 : i32, i32
  }
  func.func @transform_11(%arg0: i32, %arg1: memref<3136xi32, #tpu.memory_space<smem>>) -> (i32, i32, i32) {
    %jit3A = arith.constant 28 : i32
    %div3A = arith.divsi %arg0, %jit3A : i32
    %sign3A = arith.constant 0 : i32
    %sign3A_0 = arith.cmpi sgt, %arg0, %sign3A : i32
    %sign3A_1 = arith.extui %sign3A_0 : i1 to i32
    %sign3A_2 = arith.constant 0 : i32
    %sign3A_3 = arith.cmpi slt, %arg0, %sign3A_2 : i32
    %sign3A_4 = arith.extui %sign3A_3 : i1 to i32
    %sign3A_5 = arith.subi %sign3A_1, %sign3A_4 : i32
    %sign3A_6 = arith.constant 0 : i32
    %sign3A_7 = arith.cmpi sgt, %jit3A, %sign3A_6 : i32
    %sign3A_8 = arith.extui %sign3A_7 : i1 to i32
    %sign3A_9 = arith.constant 0 : i32
    %sign3A_10 = arith.cmpi slt, %jit3A, %sign3A_9 : i32
    %sign3A_11 = arith.extui %sign3A_10 : i1 to i32
    %sign3A_12 = arith.subi %sign3A_8, %sign3A_11 : i32
    %ne3A = arith.cmpi ne, %sign3A_5, %sign3A_12 : i32
    %rem3A = arith.remsi %arg0, %jit3A : i32
    %ne3A_13 = arith.constant 0 : i32
    %ne3A_14 = arith.cmpi ne, %rem3A, %ne3A_13 : i32
    %and3A = arith.andi %ne3A, %ne3A_14 : i1
    %sub3A = arith.constant 1 : i32
    %sub3A_15 = arith.subi %div3A, %sub3A : i32
    %select_n3A = arith.select %and3A, %sub3A_15, %div3A : i32
    %jit3A_16 = arith.constant 28 : i32
    %eq3A = arith.constant 0 : i32
    %eq3A_17 = arith.cmpi eq, %jit3A_16, %eq3A : i32
    %jit3A_18 = arith.constant 1 : i32
    %select_n3A_19 = arith.select %eq3A_17, %jit3A_18, %jit3A_16 : i32
    %rem3A_20 = arith.remsi %arg0, %select_n3A_19 : i32
    %ne3A_21 = arith.constant 0 : i32
    %ne3A_22 = arith.cmpi ne, %rem3A_20, %ne3A_21 : i32
    %lt3A = arith.constant 0 : i32
    %lt3A_23 = arith.cmpi slt, %rem3A_20, %lt3A : i32
    %lt3A_24 = arith.constant 0 : i32
    %lt3A_25 = arith.cmpi slt, %select_n3A_19, %lt3A_24 : i32
    %ne3A_26 = arith.xori %lt3A_23, %lt3A_25 : i1
    %and3A_27 = arith.andi %ne3A_26, %ne3A_22 : i1
    %add3A = arith.addi %rem3A_20, %select_n3A_19 : i32
    %select_n3A_28 = arith.select %and3A_27, %add3A, %rem3A_20 : i32
    %c0_i32 = arith.constant 0 : i32
    %c0_i32_29 = arith.constant 0 : i32
    return %select_n3A, %select_n3A_28, %c0_i32 : i32, i32, i32
  }
}

module attributes {stable_mosaic.version = 14 : i64} {
  func.func @_lepe_kernel(%arg0: i32, %arg1: memref<8x226x192xf32, #tpu.memory_space<vmem>>, %arg2: memref<8x226x192xf32, #tpu.memory_space<vmem>>, %arg3: memref<8x226x192xf32, #tpu.memory_space<vmem>>, %arg4: memref<16x192xf32, #tpu.memory_space<vmem>>, %arg5: memref<1x192xf32, #tpu.memory_space<vmem>>, %arg6: memref<8x224x192xf32, #tpu.memory_space<vmem>>) attributes {dimension_semantics = [#tpu.dimension_semantics<arbitrary>], iteration_bounds = array<i64: 28>, scalar_prefetch = 0 : i64, scratch_operands = 0 : i64, tpu.core_type = #tpu.core_type<tc>, window_params = [{transform_indices = @transform_0, window_bounds = array<i64: 8, 226, 192>}, {transform_indices = @transform_1, window_bounds = array<i64: 8, 226, 192>}, {transform_indices = @transform_2, window_bounds = array<i64: 8, 226, 192>}, {pipeline_mode = #tpu.pipeline_mode<synchronous>, transform_indices = @transform_3, window_bounds = array<i64: 16, 192>}, {pipeline_mode = #tpu.pipeline_mode<synchronous>, transform_indices = @transform_4, window_bounds = array<i64: 1, 192>}, {transform_indices = @transform_5, window_bounds = array<i64: 8, 224, 192>}]} {
    %get3A = arith.constant 0 : index
    %get3A_0 = arith.constant 0 : index
    %get3A_1 = vector.load %arg5[%get3A, %get3A_0] : memref<1x192xf32, #tpu.memory_space<vmem>>, vector<1x192xf32>
    %broadcast_in_dim3A = vector.shape_cast %get3A_1 : vector<1x192xf32> to vector<1x1x192xf32>
    %broadcast_in_dim3A_2 = vector.broadcast %broadcast_in_dim3A : vector<1x1x192xf32> to vector<8x224x192xf32>
    %get3A_3 = arith.constant 0 : index
    %get3A_4 = arith.constant 0 : index
    %get3A_5 = arith.constant 0 : index
    %get3A_6 = vector.load %arg1[%get3A_3, %get3A_4, %get3A_5] : memref<8x226x192xf32, #tpu.memory_space<vmem>>, vector<8x226x192xf32>
    %get3A_7 = arith.constant 0 : index
    %get3A_8 = arith.constant 0 : index
    %get3A_9 = vector.load %arg4[%get3A_7, %get3A_8] : memref<16x192xf32, #tpu.memory_space<vmem>>, vector<1x192xf32>
    %get3A_10 = vector.shape_cast %get3A_9 : vector<1x192xf32> to vector<192xf32>
    %slice3A = vector.extract_strided_slice %get3A_6 {offsets = [0, 0, 0], sizes = [8, 224, 192], strides = [1, 1, 1]} : vector<8x226x192xf32> to vector<8x224x192xf32>
    %broadcast_in_dim3A_11 = vector.shape_cast %get3A_10 : vector<192xf32> to vector<1x1x192xf32>
    %mul3A = vector.broadcast %broadcast_in_dim3A_11 : vector<1x1x192xf32> to vector<8x224x192xf32>
    %mul3A_12 = arith.mulf %slice3A, %mul3A : vector<8x224x192xf32>
    %add3A = arith.addf %broadcast_in_dim3A_2, %mul3A_12 : vector<8x224x192xf32>
    %get3A_13 = arith.constant 1 : index
    %get3A_14 = arith.constant 0 : index
    %get3A_15 = vector.load %arg4[%get3A_13, %get3A_14] : memref<16x192xf32, #tpu.memory_space<vmem>>, vector<1x192xf32>
    %get3A_16 = vector.shape_cast %get3A_15 : vector<1x192xf32> to vector<192xf32>
    %slice3A_17 = vector.extract_strided_slice %get3A_6 {offsets = [0, 1, 0], sizes = [8, 224, 192], strides = [1, 1, 1]} : vector<8x226x192xf32> to vector<8x224x192xf32>
    %broadcast_in_dim3A_18 = vector.shape_cast %get3A_16 : vector<192xf32> to vector<1x1x192xf32>
    %mul3A_19 = vector.broadcast %broadcast_in_dim3A_18 : vector<1x1x192xf32> to vector<8x224x192xf32>
    %mul3A_20 = arith.mulf %slice3A_17, %mul3A_19 : vector<8x224x192xf32>
    %add3A_21 = arith.addf %add3A, %mul3A_20 : vector<8x224x192xf32>
    %get3A_22 = arith.constant 2 : index
    %get3A_23 = arith.constant 0 : index
    %get3A_24 = vector.load %arg4[%get3A_22, %get3A_23] : memref<16x192xf32, #tpu.memory_space<vmem>>, vector<1x192xf32>
    %get3A_25 = vector.shape_cast %get3A_24 : vector<1x192xf32> to vector<192xf32>
    %slice3A_26 = vector.extract_strided_slice %get3A_6 {offsets = [0, 2, 0], sizes = [8, 224, 192], strides = [1, 1, 1]} : vector<8x226x192xf32> to vector<8x224x192xf32>
    %broadcast_in_dim3A_27 = vector.shape_cast %get3A_25 : vector<192xf32> to vector<1x1x192xf32>
    %mul3A_28 = vector.broadcast %broadcast_in_dim3A_27 : vector<1x1x192xf32> to vector<8x224x192xf32>
    %mul3A_29 = arith.mulf %slice3A_26, %mul3A_28 : vector<8x224x192xf32>
    %add3A_30 = arith.addf %add3A_21, %mul3A_29 : vector<8x224x192xf32>
    %get3A_31 = arith.constant 0 : index
    %get3A_32 = arith.constant 0 : index
    %get3A_33 = arith.constant 0 : index
    %get3A_34 = vector.load %arg2[%get3A_31, %get3A_32, %get3A_33] : memref<8x226x192xf32, #tpu.memory_space<vmem>>, vector<8x226x192xf32>
    %get3A_35 = arith.constant 3 : index
    %get3A_36 = arith.constant 0 : index
    %get3A_37 = vector.load %arg4[%get3A_35, %get3A_36] : memref<16x192xf32, #tpu.memory_space<vmem>>, vector<1x192xf32>
    %get3A_38 = vector.shape_cast %get3A_37 : vector<1x192xf32> to vector<192xf32>
    %slice3A_39 = vector.extract_strided_slice %get3A_34 {offsets = [0, 0, 0], sizes = [8, 224, 192], strides = [1, 1, 1]} : vector<8x226x192xf32> to vector<8x224x192xf32>
    %broadcast_in_dim3A_40 = vector.shape_cast %get3A_38 : vector<192xf32> to vector<1x1x192xf32>
    %mul3A_41 = vector.broadcast %broadcast_in_dim3A_40 : vector<1x1x192xf32> to vector<8x224x192xf32>
    %mul3A_42 = arith.mulf %slice3A_39, %mul3A_41 : vector<8x224x192xf32>
    %add3A_43 = arith.addf %add3A_30, %mul3A_42 : vector<8x224x192xf32>
    %get3A_44 = arith.constant 4 : index
    %get3A_45 = arith.constant 0 : index
    %get3A_46 = vector.load %arg4[%get3A_44, %get3A_45] : memref<16x192xf32, #tpu.memory_space<vmem>>, vector<1x192xf32>
    %get3A_47 = vector.shape_cast %get3A_46 : vector<1x192xf32> to vector<192xf32>
    %slice3A_48 = vector.extract_strided_slice %get3A_34 {offsets = [0, 1, 0], sizes = [8, 224, 192], strides = [1, 1, 1]} : vector<8x226x192xf32> to vector<8x224x192xf32>
    %broadcast_in_dim3A_49 = vector.shape_cast %get3A_47 : vector<192xf32> to vector<1x1x192xf32>
    %mul3A_50 = vector.broadcast %broadcast_in_dim3A_49 : vector<1x1x192xf32> to vector<8x224x192xf32>
    %mul3A_51 = arith.mulf %slice3A_48, %mul3A_50 : vector<8x224x192xf32>
    %add3A_52 = arith.addf %add3A_43, %mul3A_51 : vector<8x224x192xf32>
    %get3A_53 = arith.constant 5 : index
    %get3A_54 = arith.constant 0 : index
    %get3A_55 = vector.load %arg4[%get3A_53, %get3A_54] : memref<16x192xf32, #tpu.memory_space<vmem>>, vector<1x192xf32>
    %get3A_56 = vector.shape_cast %get3A_55 : vector<1x192xf32> to vector<192xf32>
    %slice3A_57 = vector.extract_strided_slice %get3A_34 {offsets = [0, 2, 0], sizes = [8, 224, 192], strides = [1, 1, 1]} : vector<8x226x192xf32> to vector<8x224x192xf32>
    %broadcast_in_dim3A_58 = vector.shape_cast %get3A_56 : vector<192xf32> to vector<1x1x192xf32>
    %mul3A_59 = vector.broadcast %broadcast_in_dim3A_58 : vector<1x1x192xf32> to vector<8x224x192xf32>
    %mul3A_60 = arith.mulf %slice3A_57, %mul3A_59 : vector<8x224x192xf32>
    %add3A_61 = arith.addf %add3A_52, %mul3A_60 : vector<8x224x192xf32>
    %get3A_62 = arith.constant 0 : index
    %get3A_63 = arith.constant 0 : index
    %get3A_64 = arith.constant 0 : index
    %get3A_65 = vector.load %arg3[%get3A_62, %get3A_63, %get3A_64] : memref<8x226x192xf32, #tpu.memory_space<vmem>>, vector<8x226x192xf32>
    %get3A_66 = arith.constant 6 : index
    %get3A_67 = arith.constant 0 : index
    %get3A_68 = vector.load %arg4[%get3A_66, %get3A_67] : memref<16x192xf32, #tpu.memory_space<vmem>>, vector<1x192xf32>
    %get3A_69 = vector.shape_cast %get3A_68 : vector<1x192xf32> to vector<192xf32>
    %slice3A_70 = vector.extract_strided_slice %get3A_65 {offsets = [0, 0, 0], sizes = [8, 224, 192], strides = [1, 1, 1]} : vector<8x226x192xf32> to vector<8x224x192xf32>
    %broadcast_in_dim3A_71 = vector.shape_cast %get3A_69 : vector<192xf32> to vector<1x1x192xf32>
    %mul3A_72 = vector.broadcast %broadcast_in_dim3A_71 : vector<1x1x192xf32> to vector<8x224x192xf32>
    %mul3A_73 = arith.mulf %slice3A_70, %mul3A_72 : vector<8x224x192xf32>
    %add3A_74 = arith.addf %add3A_61, %mul3A_73 : vector<8x224x192xf32>
    %get3A_75 = arith.constant 7 : index
    %get3A_76 = arith.constant 0 : index
    %get3A_77 = vector.load %arg4[%get3A_75, %get3A_76] : memref<16x192xf32, #tpu.memory_space<vmem>>, vector<1x192xf32>
    %get3A_78 = vector.shape_cast %get3A_77 : vector<1x192xf32> to vector<192xf32>
    %slice3A_79 = vector.extract_strided_slice %get3A_65 {offsets = [0, 1, 0], sizes = [8, 224, 192], strides = [1, 1, 1]} : vector<8x226x192xf32> to vector<8x224x192xf32>
    %broadcast_in_dim3A_80 = vector.shape_cast %get3A_78 : vector<192xf32> to vector<1x1x192xf32>
    %mul3A_81 = vector.broadcast %broadcast_in_dim3A_80 : vector<1x1x192xf32> to vector<8x224x192xf32>
    %mul3A_82 = arith.mulf %slice3A_79, %mul3A_81 : vector<8x224x192xf32>
    %add3A_83 = arith.addf %add3A_74, %mul3A_82 : vector<8x224x192xf32>
    %get3A_84 = arith.constant 8 : index
    %get3A_85 = arith.constant 0 : index
    %get3A_86 = vector.load %arg4[%get3A_84, %get3A_85] : memref<16x192xf32, #tpu.memory_space<vmem>>, vector<1x192xf32>
    %get3A_87 = vector.shape_cast %get3A_86 : vector<1x192xf32> to vector<192xf32>
    %slice3A_88 = vector.extract_strided_slice %get3A_65 {offsets = [0, 2, 0], sizes = [8, 224, 192], strides = [1, 1, 1]} : vector<8x226x192xf32> to vector<8x224x192xf32>
    %broadcast_in_dim3A_89 = vector.shape_cast %get3A_87 : vector<192xf32> to vector<1x1x192xf32>
    %mul3A_90 = vector.broadcast %broadcast_in_dim3A_89 : vector<1x1x192xf32> to vector<8x224x192xf32>
    %mul3A_91 = arith.mulf %slice3A_88, %mul3A_90 : vector<8x224x192xf32>
    %add3A_92 = arith.addf %add3A_83, %mul3A_91 : vector<8x224x192xf32>
    %swap3A = arith.constant 0 : index
    %swap3A_93 = arith.constant 0 : index
    %swap3A_94 = arith.constant 0 : index
    %swap3A_95 = vector.load %arg6[%swap3A, %swap3A_93, %swap3A_94] : memref<8x224x192xf32, #tpu.memory_space<vmem>>, vector<8x224x192xf32>
    tpu.vector_store %arg6[%swap3A, %swap3A_93, %swap3A_94], %add3A_92 {strides = array<i32>} : memref<8x224x192xf32, #tpu.memory_space<vmem>>, vector<8x224x192xf32>,
    return
  }
  func.func @transform_0(%arg0: i32) -> (i32, i32, i32) {
    %c0_i32 = arith.constant 0 : i32
    %c0_i32_0 = arith.constant 0 : i32
    %c0_i32_1 = arith.constant 0 : i32
    return %arg0, %c0_i32, %c0_i32_0 : i32, i32, i32
  }
  func.func @transform_1(%arg0: i32) -> (i32, i32, i32) {
    %c0_i32 = arith.constant 0 : i32
    %c0_i32_0 = arith.constant 0 : i32
    %c0_i32_1 = arith.constant 0 : i32
    return %arg0, %c0_i32, %c0_i32_0 : i32, i32, i32
  }
  func.func @transform_2(%arg0: i32) -> (i32, i32, i32) {
    %c0_i32 = arith.constant 0 : i32
    %c0_i32_0 = arith.constant 0 : i32
    %c0_i32_1 = arith.constant 0 : i32
    return %arg0, %c0_i32, %c0_i32_0 : i32, i32, i32
  }
  func.func @transform_3(%arg0: i32) -> (i32, i32) {
    %c0_i32 = arith.constant 0 : i32
    %c0_i32_0 = arith.constant 0 : i32
    %c0_i32_1 = arith.constant 0 : i32
    return %c0_i32, %c0_i32_0 : i32, i32
  }
  func.func @transform_4(%arg0: i32) -> (i32, i32) {
    %c0_i32 = arith.constant 0 : i32
    %c0_i32_0 = arith.constant 0 : i32
    %c0_i32_1 = arith.constant 0 : i32
    return %c0_i32, %c0_i32_0 : i32, i32
  }
  func.func @transform_5(%arg0: i32) -> (i32, i32, i32) {
    %c0_i32 = arith.constant 0 : i32
    %c0_i32_0 = arith.constant 0 : i32
    %c0_i32_1 = arith.constant 0 : i32
    return %arg0, %c0_i32, %c0_i32_0 : i32, i32, i32
  }
}

module attributes {stable_mosaic.version = 14 : i64} {
  func.func @_ca1_kernel(%arg0: i32, %arg1: memref<1792x96xf32, #tpu.memory_space<vmem>>, %arg2: memref<1792x96xf32, #tpu.memory_space<vmem>>, %arg3: memref<1792x192xf32, #tpu.memory_space<vmem>>, %arg4: memref<1792x192xf32, #tpu.memory_space<vmem>>, %arg5: memref<192x192xf32, #tpu.memory_space<vmem>>) attributes {dimension_semantics = [#tpu.dimension_semantics<arbitrary>], iteration_bounds = array<i64: 28>, scalar_prefetch = 0 : i64, scratch_operands = 0 : i64, tpu.core_type = #tpu.core_type<tc>, window_params = [{transform_indices = @transform_0, window_bounds = array<i64: 1792, 96>}, {transform_indices = @transform_1, window_bounds = array<i64: 1792, 96>}, {transform_indices = @transform_2, window_bounds = array<i64: 1792, 192>}, {transform_indices = @transform_3, window_bounds = array<i64: 1792, 192>}, {pipeline_mode = #tpu.pipeline_mode<synchronous>, transform_indices = @transform_4, window_bounds = array<i64: 192, 192>}]} {
    %get3A = arith.constant 0 : index
    %get3A_0 = arith.constant 0 : index
    %get3A_1 = vector.load %arg1[%get3A, %get3A_0] : memref<1792x96xf32, #tpu.memory_space<vmem>>, vector<1792x96xf32>
    %get3A_2 = arith.constant 0 : index
    %get3A_3 = arith.constant 0 : index
    %get3A_4 = vector.load %arg2[%get3A_2, %get3A_3] : memref<1792x96xf32, #tpu.memory_space<vmem>>, vector<1792x96xf32>
    %concatenate3A = tpu.concatenate %get3A_1, %get3A_4 in 1 : vector<1792x96xf32>, vector<1792x96xf32> -> vector<1792x192xf32>
    %get3A_5 = arith.constant 0 : index
    %get3A_6 = arith.constant 0 : index
    %get3A_7 = vector.load %arg3[%get3A_5, %get3A_6] : memref<1792x192xf32, #tpu.memory_space<vmem>>, vector<1792x192xf32>
    %add3A = arith.addf %concatenate3A, %get3A_7 : vector<1792x192xf32>
    %swap3A = arith.constant 0 : index
    %swap3A_8 = arith.constant 0 : index
    %swap3A_9 = vector.load %arg4[%swap3A, %swap3A_8] : memref<1792x192xf32, #tpu.memory_space<vmem>>, vector<1792x192xf32>
    tpu.vector_store %arg4[%swap3A, %swap3A_8], %add3A {strides = array<i32>} : memref<1792x192xf32, #tpu.memory_space<vmem>>, vector<1792x192xf32>,
    %eq3A = arith.constant 0 : i32
    %eq3A_10 = arith.cmpi eq, %arg0, %eq3A : i32
    %convert_element_type3A = arith.extui %eq3A_10 : i1 to i32
    %cond3A = arith.constant 0 : i32
    %cond3A_11 = arith.cmpi ne, %convert_element_type3A, %cond3A : i32
    scf.if %cond3A_11 {
      %broadcast_in_dim3A = arith.constant 0.000000e+00 : f32
      %broadcast_in_dim3A_20 = vector.broadcast %broadcast_in_dim3A : f32 to vector<192x192xf32>
      %swap3A_21 = arith.constant 0 : index
      %swap3A_22 = arith.constant 0 : index
      %swap3A_23 = vector.load %arg5[%swap3A_21, %swap3A_22] : memref<192x192xf32, #tpu.memory_space<vmem>>, vector<192x192xf32>
      tpu.vector_store %arg5[%swap3A_21, %swap3A_22], %broadcast_in_dim3A_20 {strides = array<i32>} : memref<192x192xf32, #tpu.memory_space<vmem>>, vector<192x192xf32>,
    } else {
    }
    %get3A_12 = arith.constant 0 : index
    %get3A_13 = arith.constant 0 : index
    %get3A_14 = vector.load %arg5[%get3A_12, %get3A_13] : memref<192x192xf32, #tpu.memory_space<vmem>>, vector<192x192xf32>
    %dot_general3A = arith.constant dense<0.000000e+00> : vector<192x192xf32>
    %dot_general3A_15 = tpu.matmul %add3A, %add3A, %dot_general3A {dimension_numbers = #tpu.dot_dimension_numbers<[0], [0], [1], [1], [0, 1, 1, 1], [], []>, transpose_lhs_hint = false} : vector<1792x192xf32>, vector<1792x192xf32>, vector<192x192xf32> -> vector<192x192xf32>
    %add3A_16 = arith.addf %get3A_14, %dot_general3A_15 : vector<192x192xf32>
    %swap3A_17 = arith.constant 0 : index
    %swap3A_18 = arith.constant 0 : index
    %swap3A_19 = vector.load %arg5[%swap3A_17, %swap3A_18] : memref<192x192xf32, #tpu.memory_space<vmem>>, vector<192x192xf32>
    tpu.vector_store %arg5[%swap3A_17, %swap3A_18], %add3A_16 {strides = array<i32>} : memref<192x192xf32, #tpu.memory_space<vmem>>, vector<192x192xf32>,
    return
  }
  func.func @transform_0(%arg0: i32) -> (i32, i32) {
    %c0_i32 = arith.constant 0 : i32
    %c0_i32_0 = arith.constant 0 : i32
    return %arg0, %c0_i32 : i32, i32
  }
  func.func @transform_1(%arg0: i32) -> (i32, i32) {
    %c0_i32 = arith.constant 0 : i32
    %c0_i32_0 = arith.constant 0 : i32
    return %arg0, %c0_i32 : i32, i32
  }
  func.func @transform_2(%arg0: i32) -> (i32, i32) {
    %c0_i32 = arith.constant 0 : i32
    %c0_i32_0 = arith.constant 0 : i32
    return %arg0, %c0_i32 : i32, i32
  }
  func.func @transform_3(%arg0: i32) -> (i32, i32) {
    %c0_i32 = arith.constant 0 : i32
    %c0_i32_0 = arith.constant 0 : i32
    return %arg0, %c0_i32 : i32, i32
  }
  func.func @transform_4(%arg0: i32) -> (i32, i32) {
    %c0_i32 = arith.constant 0 : i32
    %c0_i32_0 = arith.constant 0 : i32
    %c0_i32_1 = arith.constant 0 : i32
    return %c0_i32, %c0_i32_0 : i32, i32
  }
}

module attributes {stable_mosaic.version = 14 : i64} {
  func.func @_fold_kernel(%arg0: i32, %arg1: memref<192x192xf32, #tpu.memory_space<vmem>>, %arg2: memref<192x192xf32, #tpu.memory_space<vmem>>, %arg3: memref<192x192xf32, #tpu.memory_space<vmem>>, %arg4: memref<192x192xf32, #tpu.memory_space<vmem>>, %arg5: memref<192x192xf32, #tpu.memory_space<vmem>>, %arg6: memref<192x192xf32, #tpu.memory_space<vmem>>) attributes {dimension_semantics = [#tpu.dimension_semantics<arbitrary>], iteration_bounds = array<i64: 1>, scalar_prefetch = 0 : i64, scratch_operands = 0 : i64, tpu.core_type = #tpu.core_type<tc>, window_params = [{pipeline_mode = #tpu.pipeline_mode<synchronous>, transform_indices = @transform_0, window_bounds = array<i64: 192, 192>}, {pipeline_mode = #tpu.pipeline_mode<synchronous>, transform_indices = @transform_1, window_bounds = array<i64: 192, 192>}, {pipeline_mode = #tpu.pipeline_mode<synchronous>, transform_indices = @transform_2, window_bounds = array<i64: 192, 192>}, {pipeline_mode = #tpu.pipeline_mode<synchronous>, transform_indices = @transform_3, window_bounds = array<i64: 192, 192>}, {pipeline_mode = #tpu.pipeline_mode<synchronous>, transform_indices = @transform_4, window_bounds = array<i64: 192, 192>}, {pipeline_mode = #tpu.pipeline_mode<synchronous>, transform_indices = @transform_5, window_bounds = array<i64: 192, 192>}]} {
    %get3A = arith.constant 0 : index
    %get3A_0 = arith.constant 0 : index
    %get3A_1 = vector.load %arg1[%get3A, %get3A_0] : memref<192x192xf32, #tpu.memory_space<vmem>>, vector<192x192xf32>
    %get3A_2 = arith.constant 0 : index
    %get3A_3 = arith.constant 0 : index
    %get3A_4 = vector.load %arg4[%get3A_2, %get3A_3] : memref<192x192xf32, #tpu.memory_space<vmem>>, vector<192x192xf32>
    %dot_general3A = arith.constant dense<0.000000e+00> : vector<192x192xf32>
    %dot_general3A_5 = tpu.matmul %get3A_1, %get3A_4, %dot_general3A {dimension_numbers = #tpu.dot_dimension_numbers<[1], [0], [0], [1], [0, 0, 1, 1], [], []>, transpose_lhs_hint = false} : vector<192x192xf32>, vector<192x192xf32>, vector<192x192xf32> -> vector<192x192xf32>
    %get3A_6 = arith.constant 0 : index
    %get3A_7 = arith.constant 0 : index
    %get3A_8 = vector.load %arg3[%get3A_6, %get3A_7] : memref<192x192xf32, #tpu.memory_space<vmem>>, vector<192x192xf32>
    %dot_general3A_9 = arith.constant dense<0.000000e+00> : vector<192x192xf32>
    %dot_general3A_10 = tpu.matmul %get3A_8, %dot_general3A_5, %dot_general3A_9 {dimension_numbers = #tpu.dot_dimension_numbers<[0], [0], [1], [1], [0, 1, 1, 1], [], []>, transpose_lhs_hint = false} : vector<192x192xf32>, vector<192x192xf32>, vector<192x192xf32> -> vector<192x192xf32>
    %mul3A = arith.constant 0.204124153 : f32
    %mul3A_11 = vector.broadcast %mul3A : f32 to vector<192x192xf32>
    %mul3A_12 = arith.mulf %dot_general3A_10, %mul3A_11 : vector<192x192xf32>
    %iota3A = tpu.iota {dimensions = array<i32: 0>} : vector<192x192xi32>
    %jit3A = arith.constant 24 : i32
    %div3A = vector.broadcast %jit3A : i32 to vector<192x192xi32>
    %div3A_13 = arith.divsi %iota3A, %div3A : vector<192x192xi32>
    %sign3A = arith.constant 0 : i32
    %sign3A_14 = vector.broadcast %sign3A : i32 to vector<192x192xi32>
    %sign3A_15 = arith.cmpi sgt, %iota3A, %sign3A_14 : vector<192x192xi32>
    %sign3A_16 = arith.extui %sign3A_15 : vector<192x192xi1> to vector<192x192xi32>
    %sign3A_17 = arith.constant 0 : i32
    %sign3A_18 = vector.broadcast %sign3A_17 : i32 to vector<192x192xi32>
    %sign3A_19 = arith.cmpi slt, %iota3A, %sign3A_18 : vector<192x192xi32>
    %sign3A_20 = arith.extui %sign3A_19 : vector<192x192xi1> to vector<192x192xi32>
    %sign3A_21 = arith.subi %sign3A_16, %sign3A_20 : vector<192x192xi32>
    %sign3A_22 = arith.constant 0 : i32
    %sign3A_23 = arith.cmpi sgt, %jit3A, %sign3A_22 : i32
    %sign3A_24 = arith.extui %sign3A_23 : i1 to i32
    %sign3A_25 = arith.constant 0 : i32
    %sign3A_26 = arith.cmpi slt, %jit3A, %sign3A_25 : i32
    %sign3A_27 = arith.extui %sign3A_26 : i1 to i32
    %sign3A_28 = arith.subi %sign3A_24, %sign3A_27 : i32
    %ne3A = vector.broadcast %sign3A_28 : i32 to vector<192x192xi32>
    %ne3A_29 = arith.cmpi ne, %sign3A_21, %ne3A : vector<192x192xi32>
    %rem3A = vector.broadcast %jit3A : i32 to vector<192x192xi32>
    %rem3A_30 = arith.remsi %iota3A, %rem3A : vector<192x192xi32>
    %ne3A_31 = arith.constant 0 : i32
    %ne3A_32 = vector.broadcast %ne3A_31 : i32 to vector<192x192xi32>
    %ne3A_33 = arith.cmpi ne, %rem3A_30, %ne3A_32 : vector<192x192xi32>
    %and3A = arith.andi %ne3A_29, %ne3A_33 : vector<192x192xi1>
    %sub3A = arith.constant 1 : i32
    %sub3A_34 = vector.broadcast %sub3A : i32 to vector<192x192xi32>
    %sub3A_35 = arith.subi %div3A_13, %sub3A_34 : vector<192x192xi32>
    %select_n3A = arith.select %and3A, %sub3A_35, %div3A_13 : vector<192x192xi1>, vector<192x192xi32>
    %iota3A_36 = tpu.iota {dimensions = array<i32: 1>} : vector<192x192xi32>
    %jit3A_37 = arith.constant 24 : i32
    %div3A_38 = vector.broadcast %jit3A_37 : i32 to vector<192x192xi32>
    %div3A_39 = arith.divsi %iota3A_36, %div3A_38 : vector<192x192xi32>
    %sign3A_40 = arith.constant 0 : i32
    %sign3A_41 = vector.broadcast %sign3A_40 : i32 to vector<192x192xi32>
    %sign3A_42 = arith.cmpi sgt, %iota3A_36, %sign3A_41 : vector<192x192xi32>
    %sign3A_43 = arith.extui %sign3A_42 : vector<192x192xi1> to vector<192x192xi32>
    %sign3A_44 = arith.constant 0 : i32
    %sign3A_45 = vector.broadcast %sign3A_44 : i32 to vector<192x192xi32>
    %sign3A_46 = arith.cmpi slt, %iota3A_36, %sign3A_45 : vector<192x192xi32>
    %sign3A_47 = arith.extui %sign3A_46 : vector<192x192xi1> to vector<192x192xi32>
    %sign3A_48 = arith.subi %sign3A_43, %sign3A_47 : vector<192x192xi32>
    %sign3A_49 = arith.constant 0 : i32
    %sign3A_50 = arith.cmpi sgt, %jit3A_37, %sign3A_49 : i32
    %sign3A_51 = arith.extui %sign3A_50 : i1 to i32
    %sign3A_52 = arith.constant 0 : i32
    %sign3A_53 = arith.cmpi slt, %jit3A_37, %sign3A_52 : i32
    %sign3A_54 = arith.extui %sign3A_53 : i1 to i32
    %sign3A_55 = arith.subi %sign3A_51, %sign3A_54 : i32
    %ne3A_56 = vector.broadcast %sign3A_55 : i32 to vector<192x192xi32>
    %ne3A_57 = arith.cmpi ne, %sign3A_48, %ne3A_56 : vector<192x192xi32>
    %rem3A_58 = vector.broadcast %jit3A_37 : i32 to vector<192x192xi32>
    %rem3A_59 = arith.remsi %iota3A_36, %rem3A_58 : vector<192x192xi32>
    %ne3A_60 = arith.constant 0 : i32
    %ne3A_61 = vector.broadcast %ne3A_60 : i32 to vector<192x192xi32>
    %ne3A_62 = arith.cmpi ne, %rem3A_59, %ne3A_61 : vector<192x192xi32>
    %and3A_63 = arith.andi %ne3A_57, %ne3A_62 : vector<192x192xi1>
    %sub3A_64 = arith.constant 1 : i32
    %sub3A_65 = vector.broadcast %sub3A_64 : i32 to vector<192x192xi32>
    %sub3A_66 = arith.subi %div3A_39, %sub3A_65 : vector<192x192xi32>
    %select_n3A_67 = arith.select %and3A_63, %sub3A_66, %div3A_39 : vector<192x192xi1>, vector<192x192xi32>
    %eq3A = arith.cmpi eq, %select_n3A, %select_n3A_67 : vector<192x192xi32>
    %jit3A_68 = arith.constant -1.000000e+30 : f32
    %broadcast_in_dim3A = vector.broadcast %jit3A_68 : f32 to vector<192x192xf32>
    %select_n3A_69 = arith.select %eq3A, %mul3A_12, %broadcast_in_dim3A : vector<192x192xi1>, vector<192x192xf32>
    %reduce_max3A = arith.constant dense<0xFF800000> : vector<192xf32>
    %reduce_max3A_70 = vector.multi_reduction <maximumf>, %select_n3A_69, %reduce_max3A [1] : vector<192x192xf32> to vector<192xf32>
    %broadcast_in_dim3A_71 = vector.shape_cast %reduce_max3A_70 : vector<192xf32> to vector<192x1xf32>
    %sub3A_72 = vector.broadcast %broadcast_in_dim3A_71 : vector<192x1xf32> to vector<192x192xf32>
    %sub3A_73 = arith.subf %select_n3A_69, %sub3A_72 : vector<192x192xf32>
    %exp3A = math.exp %sub3A_73 : vector<192x192xf32>
    %reduce_sum3A = arith.constant dense<0.000000e+00> : vector<192xf32>
    %reduce_sum3A_74 = vector.multi_reduction <add>, %exp3A, %reduce_sum3A [1] : vector<192x192xf32> to vector<192xf32>
    %broadcast_in_dim3A_75 = vector.shape_cast %reduce_sum3A_74 : vector<192xf32> to vector<192x1xf32>
    %div3A_76 = arith.constant 1.000000e+00 : f32
    %div3A_77 = vector.broadcast %div3A_76 : f32 to vector<192x1xf32>
    %div3A_78 = arith.divf %div3A_77, %broadcast_in_dim3A_75 : vector<192x1xf32>
    %mul3A_79 = vector.broadcast %div3A_78 : vector<192x1xf32> to vector<192x192xf32>
    %mul3A_80 = arith.mulf %exp3A, %mul3A_79 : vector<192x192xf32>
    %get3A_81 = arith.constant 0 : index
    %get3A_82 = arith.constant 0 : index
    %get3A_83 = vector.load %arg2[%get3A_81, %get3A_82] : memref<192x192xf32, #tpu.memory_space<vmem>>, vector<192x192xf32>
    %dot_general3A_84 = arith.constant dense<0.000000e+00> : vector<192x192xf32>
    %dot_general3A_85 = tpu.matmul %get3A_83, %mul3A_80, %dot_general3A_84 {dimension_numbers = #tpu.dot_dimension_numbers<[1], [1], [0], [0], [0, 0, 1, 0], [], []>, transpose_lhs_hint = false} : vector<192x192xf32>, vector<192x192xf32>, vector<192x192xf32> -> vector<192x192xf32>
    %get3A_86 = arith.constant 0 : index
    %get3A_87 = arith.constant 0 : index
    %get3A_88 = vector.load %arg5[%get3A_86, %get3A_87] : memref<192x192xf32, #tpu.memory_space<vmem>>, vector<192x192xf32>
    %dot_general3A_89 = arith.constant dense<0.000000e+00> : vector<192x192xf32>
    %dot_general3A_90 = tpu.matmul %dot_general3A_85, %get3A_88, %dot_general3A_89 {dimension_numbers = #tpu.dot_dimension_numbers<[1], [0], [0], [1], [0, 0, 1, 1], [], []>, transpose_lhs_hint = false} : vector<192x192xf32>, vector<192x192xf32>, vector<192x192xf32> -> vector<192x192xf32>
    %swap3A = arith.constant 0 : index
    %swap3A_91 = arith.constant 0 : index
    %swap3A_92 = vector.load %arg6[%swap3A, %swap3A_91] : memref<192x192xf32, #tpu.memory_space<vmem>>, vector<192x192xf32>
    tpu.vector_store %arg6[%swap3A, %swap3A_91], %dot_general3A_90 {strides = array<i32>} : memref<192x192xf32, #tpu.memory_space<vmem>>, vector<192x192xf32>,
    return
  }
  func.func @transform_0(%arg0: i32) -> (i32, i32) {
    %c0_i32 = arith.constant 0 : i32
    %c0_i32_0 = arith.constant 0 : i32
    %c0_i32_1 = arith.constant 0 : i32
    return %c0_i32, %c0_i32_0 : i32, i32
  }
  func.func @transform_1(%arg0: i32) -> (i32, i32) {
    %c0_i32 = arith.constant 0 : i32
    %c0_i32_0 = arith.constant 0 : i32
    %c0_i32_1 = arith.constant 0 : i32
    return %c0_i32, %c0_i32_0 : i32, i32
  }
  func.func @transform_2(%arg0: i32) -> (i32, i32) {
    %c0_i32 = arith.constant 0 : i32
    %c0_i32_0 = arith.constant 0 : i32
    %c0_i32_1 = arith.constant 0 : i32
    return %c0_i32, %c0_i32_0 : i32, i32
  }
  func.func @transform_3(%arg0: i32) -> (i32, i32) {
    %c0_i32 = arith.constant 0 : i32
    %c0_i32_0 = arith.constant 0 : i32
    %c0_i32_1 = arith.constant 0 : i32
    return %c0_i32, %c0_i32_0 : i32, i32
  }
  func.func @transform_4(%arg0: i32) -> (i32, i32) {
    %c0_i32 = arith.constant 0 : i32
    %c0_i32_0 = arith.constant 0 : i32
    %c0_i32_1 = arith.constant 0 : i32
    return %c0_i32, %c0_i32_0 : i32, i32
  }
  func.func @transform_5(%arg0: i32) -> (i32, i32) {
    %c0_i32 = arith.constant 0 : i32
    %c0_i32_0 = arith.constant 0 : i32
    %c0_i32_1 = arith.constant 0 : i32
    return %c0_i32, %c0_i32_0 : i32, i32
  }
}

module attributes {stable_mosaic.version = 14 : i64} {
  func.func @_ca2_kernel(%arg0: i32, %arg1: memref<1792x192xf32, #tpu.memory_space<vmem>>, %arg2: memref<192x192xf32, #tpu.memory_space<vmem>>, %arg3: memref<1x192xf32, #tpu.memory_space<vmem>>, %arg4: memref<1792x192xf32, #tpu.memory_space<vmem>>) attributes {dimension_semantics = [#tpu.dimension_semantics<arbitrary>], iteration_bounds = array<i64: 28>, scalar_prefetch = 0 : i64, scratch_operands = 0 : i64, tpu.core_type = #tpu.core_type<tc>, window_params = [{transform_indices = @transform_0, window_bounds = array<i64: 1792, 192>}, {pipeline_mode = #tpu.pipeline_mode<synchronous>, transform_indices = @transform_1, window_bounds = array<i64: 192, 192>}, {pipeline_mode = #tpu.pipeline_mode<synchronous>, transform_indices = @transform_2, window_bounds = array<i64: 1, 192>}, {transform_indices = @transform_3, window_bounds = array<i64: 1792, 192>}]} {
    %get3A = arith.constant 0 : index
    %get3A_0 = arith.constant 0 : index
    %get3A_1 = vector.load %arg1[%get3A, %get3A_0] : memref<1792x192xf32, #tpu.memory_space<vmem>>, vector<1792x192xf32>
    %get3A_2 = arith.constant 0 : index
    %get3A_3 = arith.constant 0 : index
    %get3A_4 = vector.load %arg2[%get3A_2, %get3A_3] : memref<192x192xf32, #tpu.memory_space<vmem>>, vector<192x192xf32>
    %dot_general3A = arith.constant dense<0.000000e+00> : vector<1792x192xf32>
    %dot_general3A_5 = tpu.matmul %get3A_1, %get3A_4, %dot_general3A {dimension_numbers = #tpu.dot_dimension_numbers<[1], [0], [0], [1], [0, 0, 1, 1], [], []>, transpose_lhs_hint = false} : vector<1792x192xf32>, vector<192x192xf32>, vector<1792x192xf32> -> vector<1792x192xf32>
    %get3A_6 = arith.constant 0 : index
    %get3A_7 = arith.constant 0 : index
    %get3A_8 = vector.load %arg3[%get3A_6, %get3A_7] : memref<1x192xf32, #tpu.memory_space<vmem>>, vector<1x192xf32>
    %add3A = vector.broadcast %get3A_8 : vector<1x192xf32> to vector<1792x192xf32>
    %add3A_9 = arith.addf %dot_general3A_5, %add3A : vector<1792x192xf32>
    %swap3A = arith.constant 0 : index
    %swap3A_10 = arith.constant 0 : index
    %swap3A_11 = vector.load %arg4[%swap3A, %swap3A_10] : memref<1792x192xf32, #tpu.memory_space<vmem>>, vector<1792x192xf32>
    tpu.vector_store %arg4[%swap3A, %swap3A_10], %add3A_9 {strides = array<i32>} : memref<1792x192xf32, #tpu.memory_space<vmem>>, vector<1792x192xf32>,
    return
  }
  func.func @transform_0(%arg0: i32) -> (i32, i32) {
    %c0_i32 = arith.constant 0 : i32
    %c0_i32_0 = arith.constant 0 : i32
    return %arg0, %c0_i32 : i32, i32
  }
  func.func @transform_1(%arg0: i32) -> (i32, i32) {
    %c0_i32 = arith.constant 0 : i32
    %c0_i32_0 = arith.constant 0 : i32
    %c0_i32_1 = arith.constant 0 : i32
    return %c0_i32, %c0_i32_0 : i32, i32
  }
  func.func @transform_2(%arg0: i32) -> (i32, i32) {
    %c0_i32 = arith.constant 0 : i32
    %c0_i32_0 = arith.constant 0 : i32
    %c0_i32_1 = arith.constant 0 : i32
    return %c0_i32, %c0_i32_0 : i32, i32
  }
  func.func @transform_3(%arg0: i32) -> (i32, i32) {
    %c0_i32 = arith.constant 0 : i32
    %c0_i32_0 = arith.constant 0 : i32
    return %arg0, %c0_i32 : i32, i32
  }
}

</mosaic_0001>

<sc_bundles>
// kernel: sparse-core-data-format-call.cloned.1.call-start
scs
called_computation_lowered:
.L_overlay_start_0:
0x0: {  	s2 =	sld [smem:$0x3FD9]  }
0x1: {  	s3 =	sld [smem:$0x3FFE];
	_ =	sdelay $0x1  }
0x2: {  	s1 =	srdreg.scid  }
0x3: {  	s0 =	sand.u32 $0x1, s1  }
0x4: {  	s18 =	sshll.u32 s0, $0xA;
	s2 =	sadd.s32 s3, s2  }
0x5: {  	s2 =	sadd.s32 s2, s18  }
0x6: {  	[smem:$0x3FBE] =	sst s2  }
0x7: {  	_ = 	snop  }
0x8: {  	s2 =	sld [smem:$0x3FD0];
	(tm) =	ssettm $0x1  }
0x9: {  	s19 =	sld [smem:$0x3FFB];
	_ =	sdelay $0x3  }
0xa: {  	_ =	strace s19  }
0xb: {  	s3 =	sld [smem:$0x3FFC];
	_ =	sdelay $0x3  }
0xc: {  	_ =	strace s3  }
0xd: {  	s3 =	sld [smem:$0x3FFD];
	_ =	sdelay $0x3  }
0xe: {  	_ =	strace s3  }
0xf: {  	_ =	strace $0x8FFFFFFF  }
0x10: {  	s20 =	sld [smem:$0x3FDB];
	_ =	sdelay $0x1  }
0x11: {  	s4 =	simm.s32 $_scs_section_size  }
0x12: {  	s5 =	simm.s32 $_size__tile_overlayer_lowered;
	s6 =	simm.s32 $_tile_overlayer_lowered  }
0x13: {  	s23 =	simm.s32 $0x1BFF;
	s22 =	sshll.u32 s6, $0x1;
	s3 =	sadd.s32 s4, s20  }
0x14: {  	s7 =	simm.s32 $0x0;
	s21 =	sshll.u32 s5, $0x1;
	s5 =	sadd.s32 s22, s3  }
0x15: {  	[timem:s7], [sflag:s23] =	dma.local [hbm:s5], s21  }
0x16: {  	_ =	swait.ge [sflag:s23], s21  }
0x17: {  	s4 =	ssub.s32 $0x0, s21;
	[sflag:s23] =	ssyncset.done $0x0  }
0x18: {  	[sflag:s23] =	ssyncadd.s32 s4;
	_ =	sdelay $0x1  }
0x19: {  	s24 =	simm.s32 $0x1B8B  }
0x1a: {  	_ =	swait.ge [sflag:s24], $0x1  }
0x1b: {  	[sflag:s24] =	ssyncset.done $0x0  }
0x1c: {  	s26 =	simm.s32 $0x1B8E;
	s25 =	sld [smem:$0x3FFE];
	[sflag:s24] =	ssyncadd.s32 $0xFFFFFFFF  }
0x1d: {  	s27 =	simm.s32 $execute0_lowered;
	[smem:$0x3FD2] =	sst s26  }
0x1e: {  	s5 =	sshll.u32 s27, $0x1;
	_ =	strace $0x80000046;
	[dreg:$0x1] =	wrdreg $0xFFFFFFFF  }
0x1f: {  	s28 =	simm.s32 $_size_execute0_lowered;
	s3 =	sadd.s32 s3, s5;
	[dreg:$0x0] =	wrdreg $0x0  }
0x20: {  	s5 =	sshll.u32 s28, $0x1;
	[dreg:$0x2] =	wrdreg s3  }
0x21: {  	[dreg:$0x3] =	wrdreg s5  }
0x22: {  	[dreg:$0x4] =	wrdreg $0xC0  }
0x23: {  	_ =	task [dreg:s7], $0x5FFFF  }
0x24: {  	[dreg:$0x1] =	wrdreg $0xFFFFFFFF  }
0x25: {  	[dreg:$0x0] =	wrdreg $0x60  }
0x26: {  	[dreg:$0x2] =	wrdreg s25  }
0x27: {  	[dreg:$0x3] =	wrdreg s2  }
0x28: {  	[dreg:$0x4] =	wrdreg $0x9  }
0x29: {  	_ =	task.clear_ibuf [dreg:s7], $0x5FFFF;
	_ =	strace $0x90000046  }
0x2a: {  	s29 =	simm.s32 $0x9;
	_ =	strace $0x80000048  }
0x2b: {  	_ =	swait.ge [sflag:s29], $0x1  }
0x2c: {  	[sflag:s29] =	ssyncadd.s32 $0xFFFFFFFF  }
0x2d: {  	_ =	strace $0x90000048  }
0x2e: {  	_ =	sfence  }
0x2f: {  	s30 =	sld [smem:$0x0];
	_ =	sdelay $0x2  }
0x30: {  	s31 =	sshll.u32 s1, $0xD;
	s1 =	sshrl.u32 s1, $0x2  }
0x31: {  	s3 =	sand.u32 $0x4000, s31;
	s1 =	sadd.s32 s1, s30  }
0x32: {  	s0 =	sor.u32 s3, s0;
	s1 =	sshll.u32 s1, $0x11  }
0x33: {  	s0 =	sor.u32 s1, s0  }
0x34: {  	s0 =	sadd.s32 $0x8F2B, s0  }
0x35: {  	[sflag:s0] =	ssyncadd.remote.s32 $0x1  }
0x36: {  	_ =	sfence.sel $0xFFFF  }
0x37: {  	[dreg:$0x0] =	wrdreg $0xFFFFFFFF;
	(pc) =	sbr.abs _section_cstart, $3  }
0x38: {  	[dreg:$0x1] =	wrdreg $0xFFFFFFFF  }
0x39: {  	_ =	task.clear_ibuf [dreg:s7], $0x2FFFF;
	_ =	strace $0x9FFFFFFF  }
0x3a: {  	(tm) =	ssettm $0x7FFFFFFF  }
0x3b: {  	_ =	shalt  }
tec
execute0_lowered:
.L_overlay_start_1:
0x0: {  	(tag) =	ssettag $0x1  }
0x1: {  	s4 =	rddreg [dreg:$0x0]  }
0x2: {  	s2 =	rddreg [dreg:$0x1]  }
0x3: {  	s0 =	rddreg [dreg:$0x2];
	s1 =	stileid.u32;
	_ =	strace $0x80000047  }
0x4: {  	s5 =	srdreg.scid;
	s9 =	simm.s32 $0x2;
	s14 =	simm.s32 $0x0  }
0x5: {  	s16 =	simm.s32 $0x0;
	s11 =	simm.s32 $0x0;
	s12 =	simm.s32 $0x0  }
0x6: {  	s15 =	simm.s32 $0x0;
	s3 =	sshll.u32 s1, $0x7;
	s4 =	sadd.s32 $0x2400, s4  }
0x7: {  	s7 =	sshll.u32 s5, $0x7;
	s5 =	simm.s32 $0x1;
	s6 =	ssub.s32 $0xC400, s3  }
.Ltmp0:
0x8: {  	[sflag:s5] =	ssyncpa.u1 $0x0;
	s8 =	sand.u32 $0x780, s6;
	(pc) =	sbr.rel .LBB1_1-.Ltmp0, $4  }
0x9: {  	s13 =	smov.u32 s3;
	p0 =	sne.s32 s8, $0x0;
	s8 =	simm.s32 $0x1  }
0xa: {  	s10 =	sshrl.u32 s6, $0xB;
	s6 =	sand.u32 $0x80, s7;
	s8 =	simm.s32 @!p0 $0x0  }
0xb: {  	[sflag:s9] =	ssyncpa.u1 $0x0;
	p0 =	por $0x0, $0x0;
	s7 =	sadd.s32 s8, s10  }
0xc: {  	s8 =	sshll.u32 s6, $0x3;
	s10 =	simm.s32 $0x62000;
	s9 =	sadd.s32 $0x1, s7  }
.LBB1_4:
0xd: {  	s22 =	sshrl.u32 s11, $0x3  }
0xe: {  	s23 =	sshll.u32 s12, $0x3;
	s24 =	sand.u32 $0x7F, s12;
	s22 =	smul.u32 $0x62000, s22  }
0xf: {  	v5 =	vld [tilespmem:s18+$0xFFFFFFD0];
	s21 =	sshra.s32 s21, $0x2;
	s25 =	sshra.s32 s12, $0x1F;
	s23 =	sand.u32 $0xFFFFFC00, s23  }
0x10: {  	[tilespmem:s20+$0x2040 ss:$0x81] =	vst.msk $0xffff, v4;
	v58 =	vld [tilespmem:s18+$0xFFFFFFE0];
	p1 =	sgt.s32 s12, $0xC380;
	s25 =	sand.u32 s25, s12;
	s22 =	sadd.s32 s23, s22  }
0x11: {  	[tilespmem:s20+$0x2850 ss:$0x81] =	vst.msk $0xffff, v3;
	v59 =	vld [tilespmem:s18+$0xFFFFFFF0];
	s23 =	sor.u32 s24, s22;
	s22 =	smulhi.u32 $0x5397829D, s22;
	s24 =	smov.u32 s12  }
0x12: {  	[tilespmem:s20+$0x3060 ss:$0x81] =	vst.msk $0xffff, v2;
	v60 =	vld [tilespmem:s18+$0x0];
	s19 =	sadd.s32 s21, s19;
	s26 =	smulhi.u32 $0x5397829D, s23;
	s24 =	simm.s32 @!p1 $0xC380  }
0x13: {  	[tilespmem:s20+$0x0 ss:$0x81] =	vst.msk $0xffff, v0;
	v61 =	vld [tilespmem:s18+$0x10];
	p1 =	sgt.s32 s11, $0x40;
	s28 =	sshrl.u32 s22, $0xE;
	s29 =	ssub.s32 s24, s25  }
0x14: {  	[tilespmem:s19+$0x3870 ss:$0x81] =	vst.msk $0xffff, v1;
	s30 =	sshrl.u32 s26, $0xE;
	s31 =	smulhi.u32 $0x1555556, s28;
	s25 =	sadd.s32 $0xFFFF3C80, s29  }
0x15: {  	v62 =	vld [tilespmem:s18+$0x20];
	[tilespmem:s19+$0x810 ss:$0x81] =	vst.msk $0xffff, v5;
	s22 =	smul.u32 $0xC400, s30;
	p2 =	sgt.s32 s25, $0x7F;
	s25 =	smov.u32 s11  }
0x16: {  	v63 =	vld [tilespmem:s18+$0xFFFFFFC0];
	[tilespmem:s19+$0x1020 ss:$0x81] =	vst.msk $0xffff, v58;
	s21 =	ssub.s32 $0xC400, s29;
	s25 =	simm.s32 @!p1 $0x40;
	s26 =	smul.u32 $0xC0, s31  }
0x17: {  	[tilespmem:s19+$0x1830 ss:$0x81] =	vst.msk $0xffff, v59;
	s21 =	simm.s32 @p2 $0x0;
	s27 =	ssub.s32 $0xC0, s25  }
0x18: {  	[tilespmem:s19+$0x2040 ss:$0x81] =	vst.msk $0xffff, v60;
	s22 =	ssub.s32 s23, s22;
	s18 =	ssub.s32 s28, s26;
	s28 =	smul.u32 s27, s21  }
0x19: {  	[tilespmem:s19+$0x2850 ss:$0x81] =	vst.msk $0xffff, v61;
	s29 =	sshrl.u32 s22, $0x3;
	s22 =	sand.u32 $0x7, s22;
	s18 =	smul.u32 $0x1880, s18  }
0x1a: {  	[tilespmem:s19+$0x3060 ss:$0x81] =	vst.msk $0xffff, v62;
	s21 =	sadd.s32 s2, s29;
	s22 =	sshll.u32 s22, $0x12  }
0x1b: {  	[tilespmem:s19+$0x0 ss:$0x81] =	vst.msk $0xffff, v63;
	s30 =	sand.u32 $0x3FFFFFC0, s28;
	s31 =	sor.u32 $0x400, s22;
	s18 =	sadd.s32 s18, s21  }
0x1c: {  	[hbm4b:s18+s31] =	stream.strided.scatter [tilespmem:s17], [sflag:$0x2], s30, s10, s31, $0x20;
	[tilespmem:$0x10100] =	vst v63  }
.LBB1_5:
0x1d: {  	p1 =	slt.u32 s15, $0x2  }
0x1e: {  	p2 =	sgt.s32 @!p1 s16, $0xC380  }
0x1f: {  	s17 =	smov.u32 s16;
	s18 =	sshra.s32 @!p1 s16, $0x1F;
	p2 =	por !p2, p1  }
0x20: {  	s16 =	sand.u32 @!p1 s18, s16;
	s17 =	simm.s32 @p2 $0xC380  }
0x21: {  	s16 =	ssub.s32 @!p1 s17, s16  }
0x22: {  	p2 =	sgt.s32 @!p1 s14, $0x40;
	s17 =	sadd.s32 @!p1 $0xFFFF3C80, s16  }
0x23: {  	s18 =	sadd.s32 $0x800, s13;
	p2 =	por !p2, p1;
	p3 =	sgt.s32 @!p1 s17, $0x7F  }
0x24: {  	s14 =	simm.s32 @p2 $0x40;
	s16 =	ssub.s32 @!p1 $0xC400, s16;
	p2 =	por !p3, p1  }
0x25: {  	s14 =	ssub.s32 @!p1 $0xC0, s14;
	s16 =	simm.s32 @!p2 $0x0;
	p2 =	sgt.s32 s18, $0xC3FF  }
0x26: {  	s14 =	smul.u32 @!p1 s14, s16;
	s18 =	smov.u32 @p2 s3;
	p2 =	sne.s32 s15, s9  }
.Ltmp1:
0x27: {  	s20 =	sadd.s32 $0x1, s15;
	p0 =	por !p0, !p0;
	(pc) =	sbr.rel @!p2 .LBB1_6-.Ltmp1, $4  }
0x28: {  	s17 =	simm.s32 @!p1 $0x2;
	s16 =	smov.u32 s12;
	s14 =	sand.u32 @!p1 $0x3FFFFFFF, s14  }
0x29: {  	s12 =	smov.u32 s13;
	s15 =	smov.u32 s20;
	_ =	swait.ge @!p1 [sflag:s17], s14  }
0x2a: {  	s13 =	smov.u32 s18;
	s19 =	ssub.s32 @!p1 $0x0, s14;
	[sflag:s17] =	ssyncset.done @!p1 $0x0  }
0x2b: {  	s14 =	smov.u32 s11;
	s11 =	smov.u32 s6;
	[sflag:s17] =	ssyncadd.s32 @!p1 s19  }
.LBB1_1:
0x2c: {  	p1 =	sge.u32 s15, s7  }
0x2d: {  	s17 =	sshll.u32 @!p1 s13, $0x8  }
0x2e: {  	s18 =	sshll.u32 @!p1 s13, $0x7;
	s17 =	sand.u32 @!p1 $0xFFFFF800, s17  }
0x2f: {  	s18 =	sand.u32 @!p1 $0x300, s18;
	s17 =	sor.u32 @!p1 s8, s17  }
0x30: {  	s17 =	sor.u32 @!p1 s18, s17  }
0x31: {  	s17 =	sshrl.u32 @!p1 s17, $0x8  }
0x32: {  	s18 =	smulhi.u32 @!p1 $0x14E5E0B, s17;
	_ =	sdelay $0x1  }
0x33: {  	s18 =	sshrl.u32 @!p1 s18, $0x8  }
0x34: {  	s18 =	smul.u32 @!p1 $0xC400, s18  }
0x35: {  	s31 =	sadd.s32 $0xFFFFFFFF, s15;
	s19 =	sxor.u32 @!p1 $0xFFFFFFFF, s15;
	s20 =	sshll.u32 @!p1 s13, $0x4  }
0x36: {  	s19 =	sshll.u32 @!p1 s19, $0xE;
	s17 =	ssub.s32 @!p1 s17, s18;
	s18 =	sand.u32 @!p1 $0x10, s20  }
0x37: {  	s19 =	sand.u32 @!p1 $0x4000, s19;
	s17 =	sshll.u32 @!p1 s17, $0x5;
	s18 =	sadd.s32 @!p1 s4, s18  }
0x38: {  	s20 =	simm.s32 @!p1 $0x800;
	s17 =	sadd.s32 @!p1 s17, s18;
	s18 =	simm.s32 @!p1 $0x400  }
0x39: {  	[tilespmem:s19], [sflag:$0x1] =	stream.strided.gather @!p1 [hbm4b:s17+s18], $0x4000, s20, s18, $0x38;
	[tilespmem:$0x10100] =	vst v63  }
0x3a: {  	p1 =	sge.u32 s31, s7  }
.Ltmp2:
0x3b: {  	_ = 	snop;
	(pc) =	sbr.rel @p1 .LBB1_5-.Ltmp2, $1  }
0x3c: {  	_ =	sdelay $0x3  }
0x3d: {  	s17 =	simm.s32 $0x1  }
0x3e: {  	_ =	swait.ge [sflag:s5], $0x4000;
	s17 =	simm.s32 @!p0 $0x0  }
0x3f: {  	[sflag:s5] =	ssyncset.done $0x0;
	s18 =	sshll.u32 s17, $0xE  }
0x40: {  	[sflag:s5] =	ssyncadd.s32 $0xFFFFC000;
	s18 =	sor.u32 $0x40, s18  }
0x41: {  	s17 =	smul.u32 $0x10200, s17;
	v0 =	vld [tilespmem:s18+$0x30]  }
0x42: {  	v1 =	vld [tilespmem:s18+$0xFFFFFFD0]  }
0x43: {  	s17 =	sshrl.u32 s17, $0x2;
	v5 =	vld [tilespmem:s18+$0xFFFFFFE0]  }
0x44: {  	v6 =	vld [tilespmem:s18+$0xFFFFFFF0];
	s19 =	sor.u32 $0x8000, s17  }
0x45: {  	s31 =	sand.u32 $0x1, s15;
	v4 =	vld [tilespmem:s18+$0x0];
	s20 =	sadd.s32 $0x0, s19  }
0x46: {  	v3 =	vld [tilespmem:s18+$0x10];
	s17 =	smul.u32 $0x10200, s31;
	[tilespmem:s20+$0x3870 ss:$0x81] =	vst.msk $0xffff, v0  }
0x47: {  	v2 =	vld [tilespmem:s18+$0x20];
	[tilespmem:s20+$0x810 ss:$0x81] =	vst.msk $0xffff, v1  }
0x48: {  	s17 =	sshrl.u32 s17, $0x2;
	v0 =	vld [tilespmem:s18+$0xFFFFFFC0];
	[tilespmem:s20+$0x1020 ss:$0x81] =	vst.msk $0xffff, v5;
	s18 =	sadd.s32 $0x80, s18  }
0x49: {  	s21 =	simm.s32 $0x4;
	s22 =	simm.s32 $0x8;
	s17 =	sor.u32 $0x8000, s17;
	[tilespmem:s20+$0x1830 ss:$0x81] =	vst.msk $0xffff, v6;
	v1 =	vld [tilespmem:s18+$0x30]  }
.LBB1_3:
0x4a: {  	p1 =	sne.s32 s22, $0x1FC;
	v5 =	vld [tilespmem:s18+$0xFFFFFFD0];
	[tilespmem:s20+$0x2040 ss:$0x81] =	vst.msk $0xffff, v4  }
0x4b: {  	v6 =	vld [tilespmem:s18+$0xFFFFFFE0];
	[tilespmem:s20+$0x2850 ss:$0x81] =	vst.msk $0xffff, v3  }
0x4c: {  	s23 =	sshra.s32 s21, $0x2;
	s21 =	smov.u32 s22;
	v7 =	vld [tilespmem:s18+$0xFFFFFFF0];
	[tilespmem:s20+$0x3060 ss:$0x81] =	vst.msk $0xffff, v2  }
.Ltmp3:
0x4d: {  	v4 =	vld [tilespmem:s18+$0x0];
	[tilespmem:s20+$0x0 ss:$0x81] =	vst.msk $0xffff, v0;
	s20 =	sadd.s32 s23, s19;
	(pc) =	sbr.rel @p1 .LBB1_3-.Ltmp3, $4  }
0x4e: {  	v3 =	vld [tilespmem:s18+$0x10];
	[tilespmem:s20+$0x3870 ss:$0x81] =	vst.msk $0xffff, v1  }
0x4f: {  	[tilespmem:s20+$0x810 ss:$0x81] =	vst.msk $0xffff, v5;
	v2 =	vld [tilespmem:s18+$0x20]  }
0x50: {  	v0 =	vld [tilespmem:s18+$0xFFFFFFC0];
	[tilespmem:s20+$0x1020 ss:$0x81] =	vst.msk $0xffff, v6;
	s18 =	sadd.s32 $0x80, s18  }
0x51: {  	s22 =	sadd.s32 $0x4, s22;
	v1 =	vld [tilespmem:s18+$0x30];
	[tilespmem:s20+$0x1830 ss:$0x81] =	vst.msk $0xffff, v7  }
.Ltmp4:
0x52: {  	_ = 	snop;
	(pc) =	sbr.rel .LBB1_4-.Ltmp4, $1  }
0x53: {  	_ =	sdelay $0x3  }
.LBB1_6:
0x54: {  	_ =	sfence.sel $0x180000  }
0x55: {  	s2 =	simm.s32 $0x1;
	[bflag:$0x0] =	sbarrier.arrive $0xFFFF  }
0x56: {  	s31 =	simm.s32 $0x2;
	[sflag:s2] =	ssyncpa.u1 $0x1  }
0x57: {  	[sflag:s31] =	ssyncpa.u1 $0x1  }
0x58: {  	p0 =	sne.s32 s1, $0x0;
	_ =	strace $0x90000047  }
0x59: {  	s0 =	sadd.s32 @!p0 $0x100000, s0;
	[bflag:$0x2] =	sbarrier.arrive $0xFFFF  }
0x5a: {  	[sflag:s0] =	ssyncadd.tile.s32 @!p0 $0x1;
	_ =	shalt  }
.Lfunc_end1:
_tile_overlayer_lowered:
.L_overlay_start_2:
0x5b: {  	(tag) =	ssettag $0x2  }
0x5c: {  	s0 =	rddreg [dreg:$0x0];
	s2 =	stileid.u32  }
0x5d: {  	s1 =	rddreg [dreg:$0x1];
	p0 =	sne.s32 s2, $0x0  }
0x5e: {  	s3 =	rddreg [dreg:$0x2];
	[bflag:$0x3] =	sbarrier.arrive $0xFFFF;
	s2 =	simm.s32 @!p0 $0x1C01  }
0x5f: {  	[timem:s3], [sflag:s2] =	dma.local @!p0 [hbm:s0], s1  }
0x60: {  	s0 =	simm.s32 @!p0 $0x1  }
0x61: {  	_ =	swait.ge @!p0 [sflag:s0], s1  }
0x62: {  	s1 =	ssub.s32 @!p0 $0x0, s1;
	[sflag:s0] =	ssyncset.done @!p0 $0x0  }
0x63: {  	[sflag:s0] =	ssyncadd.s32 @!p0 s1  }
0x64: {  	[bflag:$0x3] =	sbarrier.arrive $0xFFFF  }
0x65: {  	_ =	shalt  }

</sc_bundles>
